<compile_context>
chip_gen: v7x
topology: tpu7x:2x2x1
jax: 0.10.2.dev20260603
libtpu: 0.0.44.dev20260713+nightly
codegen_flags: <defaults>
</compile_context>

<pallas_src>
import functools

import jax
import jax.numpy as jnp
import numpy as np
from jax import lax
from jax.experimental import pallas as pl
from jax.experimental.pallas import tpu as pltpu
from jax.experimental.pallas import tpu_sc as plsc

N_NODES = 10000
N_EDGES = 320000
D = 128

NC = 2
NS = 16
NW = NC * NS

CE = 128
NCH = N_EDGES // CE
CH_LO = NCH // NW
CH_REM = NCH - CH_LO * NW

NPAD = 10240
TPW = NPAD // NS
RPW = N_NODES // NS

SCALE = float(1.0 / np.sqrt(D))



def _proj_body(x_ref, wq_ref, wk_ref, wv_ref, ws_ref, bq_ref, bk_ref, bv_ref,
               bs_ref, q_ref, k_ref, v_ref, s_ref):
    xb = x_ref[...]
    q_ref[...] = jnp.dot(xb, wq_ref[...], preferred_element_type=jnp.float32) + bq_ref[...]
    k_ref[...] = jnp.dot(xb, wk_ref[...], preferred_element_type=jnp.float32) + bk_ref[...]
    v_ref[...] = jnp.dot(xb, wv_ref[...], preferred_element_type=jnp.float32) + bv_ref[...]
    s_ref[...] = jnp.dot(xb, ws_ref[...], preferred_element_type=jnp.float32) + bs_ref[...]


def _proj(x, Wq, Wk, Wv, Ws, bq, bk, bv, bs):
    bn = 1000
    grid = (N_NODES // bn,)
    w_spec = pl.BlockSpec((D, D), lambda i: (0, 0))
    b_spec = pl.BlockSpec((1, D), lambda i: (0, 0))
    o_spec = pl.BlockSpec((bn, D), lambda i: (i, 0))
    return pl.pallas_call(
        _proj_body,
        grid=grid,
        in_specs=[pl.BlockSpec((bn, D), lambda i: (i, 0)),
                  w_spec, w_spec, w_spec, w_spec,
                  b_spec, b_spec, b_spec, b_spec],
        out_specs=[o_spec, o_spec, o_spec, o_spec],
        out_shape=[jax.ShapeDtypeStruct((N_NODES, D), jnp.float32)] * 4,
    )(x, Wq, Wk, Wv, Ws, bq.reshape(1, D), bk.reshape(1, D),
      bv.reshape(1, D), bs.reshape(1, D))


def _combine_body(p0_ref, p1_ref, s_ref, o_ref):
    o_ref[...] = p0_ref[...] + p1_ref[...] + s_ref[...]


def _combine(p0, p1, s):
    bn = 1000
    spec = pl.BlockSpec((bn, D), lambda i: (i, 0))
    return pl.pallas_call(
        _combine_body,
        grid=(N_NODES // bn,),
        in_specs=[spec, spec, spec],
        out_specs=spec,
        out_shape=jax.ShapeDtypeStruct((N_NODES, D), jnp.float32),
    )(p0, p1, s)



_MESH = plsc.VectorSubcoreMesh(core_axis_name="c", subcore_axis_name="s",
                               num_cores=NC, num_subcores=NS)


def _worker_id():
    cid = lax.axis_index("c")
    sid = lax.axis_index("s")
    return cid, sid, sid * NC + cid


def _num_chunks(wid):
    return jnp.where(wid < CH_REM, CH_LO + 1, CH_LO)


@functools.partial(
    pl.kernel,
    out_type=(jax.ShapeDtypeStruct((N_EDGES,), jnp.float32),
              jax.ShapeDtypeStruct((NC, NPAD), jnp.float32)),
    mesh=_MESH,
    compiler_params=pltpu.CompilerParams(needs_layout_passes=False,
                                         use_tc_tiling_on_sc=False),
    scratch_types=[
        pltpu.VMEM((CE,), jnp.int32),
        pltpu.VMEM((CE,), jnp.int32),
        pltpu.VMEM((CE, D), jnp.float32),
        pltpu.VMEM((CE, D), jnp.float32),
        pltpu.VMEM((CE,), jnp.float32),
        pltpu.VMEM((TPW,), jnp.float32),
        pltpu.VMEM_SHARED((NPAD,), jnp.float32),
        pltpu.SemaphoreType.DMA,
    ],
)
def _edge_pass1(q_hbm, k_hbm, src_hbm, dst_hbm, ex_hbm, den_hbm,
                dstb, srcb, qrows, krows, exb, zbuf, denacc, sem):
    cid, sid, wid = _worker_id()
    iota16 = jnp.arange(16, dtype=jnp.int32)

    def _z(i, _):
        zbuf[pl.ds(i * 16, 16)] = jnp.zeros((16,), jnp.float32)
        return 0
    lax.fori_loop(0, TPW // 16, _z, 0)
    pltpu.sync_copy(zbuf, denacc.at[pl.ds(sid * TPW, TPW)])
    plsc.subcore_barrier()

    def _chunk(i, _):
        base = (wid + i * NW) * CE
        pltpu.sync_copy(dst_hbm.at[pl.ds(base, CE)], dstb)
        pltpu.sync_copy(src_hbm.at[pl.ds(base, CE)], srcb)
        pltpu.async_copy(q_hbm.at[dstb], qrows, sem).wait()
        pltpu.async_copy(k_hbm.at[srcb], krows, sem).wait()
        for g in range(CE // 16):
            row16 = g * 16 + iota16

            def _dot(c, acc):
                c16 = jnp.full((16,), c, jnp.int32)
                qv = plsc.load_gather(qrows, [row16, c16])
                kv = plsc.load_gather(krows, [row16, c16])
                return acc + qv * kv

            acc = lax.fori_loop(0, D, _dot, jnp.zeros((16,), jnp.float32))
            exb[pl.ds(g * 16, 16)] = jnp.exp(acc * SCALE)
        pltpu.sync_copy(exb, ex_hbm.at[pl.ds(base, CE)])
        pltpu.sync_copy(exb, denacc.at[dstb], add=True)
        return 0

    lax.fori_loop(0, _num_chunks(wid), _chunk, 0)
    plsc.subcore_barrier()
    pltpu.sync_copy(denacc.at[pl.ds(sid * TPW, TPW)],
                    den_hbm.at[cid, pl.ds(sid * TPW, TPW)])


@functools.partial(
    pl.kernel,
    out_type=jax.ShapeDtypeStruct((NC, N_NODES, D), jnp.float32),
    mesh=_MESH,
    compiler_params=pltpu.CompilerParams(needs_layout_passes=False,
                                         use_tc_tiling_on_sc=False),
    scratch_types=[
        pltpu.VMEM((CE,), jnp.int32),
        pltpu.VMEM((CE,), jnp.int32),
        pltpu.VMEM((CE,), jnp.float32),
        pltpu.VMEM((CE, D), jnp.float32),
        pltpu.VMEM((NPAD,), jnp.float32),
        pltpu.VMEM((TPW,), jnp.float32),
        pltpu.VMEM_SHARED((NPAD, D), jnp.float32),
        pltpu.SemaphoreType.DMA,
    ],
)
def _edge_pass2(v_hbm, src_hbm, dst_hbm, ex_hbm, den_hbm, out_hbm,
                dstb, srcb, exb, vrows, dencomb, dtmp, outacc, sem):
    cid, sid, wid = _worker_id()
    iota16 = jnp.arange(16, dtype=jnp.int32)

    pltpu.sync_copy(den_hbm.at[0], dencomb)

    def _dstage(j, _):
        pltpu.sync_copy(den_hbm.at[1, pl.ds(j * TPW, TPW)], dtmp)

        def _dadd(i, _):
            sl = pl.ds(j * TPW + i * 16, 16)
            dencomb[sl] = dencomb[sl] + dtmp[pl.ds(i * 16, 16)] + 1e-16
            return 0
        lax.fori_loop(0, TPW // 16, _dadd, 0)
        return 0
    lax.fori_loop(0, NS, _dstage, 0)

    def _zr(i, _):
        r = i // (D // 16)
        c = i % (D // 16)
        vrows[r, pl.ds(c * 16, 16)] = jnp.zeros((16,), jnp.float32)
        return 0
    lax.fori_loop(0, 16 * (D // 16), _zr, 0)

    def _zo(i, _):
        pltpu.sync_copy(vrows.at[pl.ds(0, 16)],
                        outacc.at[pl.ds(sid * TPW + i * 16, 16)])
        return 0
    lax.fori_loop(0, TPW // 16, _zo, 0)
    plsc.subcore_barrier()

    def _chunk(i, _):
        base = (wid + i * NW) * CE
        pltpu.sync_copy(dst_hbm.at[pl.ds(base, CE)], dstb)
        pltpu.sync_copy(src_hbm.at[pl.ds(base, CE)], srcb)
        pltpu.sync_copy(ex_hbm.at[pl.ds(base, CE)], exb)
        pltpu.async_copy(v_hbm.at[srcb], vrows, sem).wait()
        for g in range(CE // 16):
            row16 = g * 16 + iota16
            dst16 = dstb[pl.ds(g * 16, 16)]
            den16 = plsc.load_gather(dencomb, [dst16])
            w16 = exb[pl.ds(g * 16, 16)] / den16

            def _mul(c, _):
                c16 = jnp.full((16,), c, jnp.int32)
                vv = plsc.load_gather(vrows, [row16, c16])
                plsc.store_scatter(vrows, [row16, c16], w16 * vv)
                return 0
            lax.fori_loop(0, D, _mul, 0)
        pltpu.sync_copy(vrows, outacc.at[dstb], add=True)
        return 0

    lax.fori_loop(0, _num_chunks(wid), _chunk, 0)
    plsc.subcore_barrier()
    pltpu.sync_copy(outacc.at[pl.ds(sid * RPW, RPW)],
                    out_hbm.at[cid, pl.ds(sid * RPW, RPW)])



def kernel(x, edge_index, Wq, bq, Wk, bk, Wv, bv, Ws, bs):
    ei = edge_index.astype(jnp.int32)
    src = ei[0]
    dst = ei[1]
    q, k, v, s = _proj(x, Wq, Wk, Wv, Ws, bq, bk, bv, bs)
    ex, den = _edge_pass1(q, k, src, dst)
    outp = _edge_pass2(v, src, dst, ex, den)
    return _combine(outp[0], outp[1], s)

# --- scband reference (transcript-rebuilt; emitter-appended) ---
"""Pipeline reference for scband-gcnconv-layer-28690381537664 (READ-ONLY COPY).

The authoritative reference and input builder live on the scoring server;
editing this copy changes nothing except your own understanding.
"""

import jax, jax.numpy as jnp
import numpy as np

N_NODES = 10000
N_EDGES = 320000
D_IN = 128
HEADS = 1
D_OUT = 128  # per-head out_channels


def setup_inputs(seed: int = 0) -> dict:
    key = jax.random.key(seed)
    ks = jax.random.split(key, 12)
    x = jax.random.normal(ks[0], (N_NODES, D_IN), dtype=jnp.float32)
    edge_index = jax.random.randint(ks[1], (2, N_EDGES), 0, N_NODES, dtype=jnp.int64)
    scale = 1.0 / np.sqrt(D_IN)
    Wq = jax.random.uniform(ks[2], (D_IN, HEADS * D_OUT), dtype=jnp.float32, minval=-scale, maxval=scale)
    bq = jnp.zeros((HEADS * D_OUT,), dtype=jnp.float32)
    Wk = jax.random.uniform(ks[3], (D_IN, HEADS * D_OUT), dtype=jnp.float32, minval=-scale, maxval=scale)
    bk = jnp.zeros((HEADS * D_OUT,), dtype=jnp.float32)
    Wv = jax.random.uniform(ks[4], (D_IN, HEADS * D_OUT), dtype=jnp.float32, minval=-scale, maxval=scale)
    bv = jnp.zeros((HEADS * D_OUT,), dtype=jnp.float32)
    Ws = jax.random.uniform(ks[5], (D_IN, HEADS * D_OUT), dtype=jnp.float32, minval=-scale, maxval=scale)
    bs = jnp.zeros((HEADS * D_OUT,), dtype=jnp.float32)
    return {"x": x, "edge_index": edge_index, "Wq": Wq, "bq": bq, "Wk": Wk, "bk": bk, "Wv": Wv, "bv": bv, "Ws": Ws, "bs": bs}


def reference(x, edge_index, Wq, bq, Wk, bk, Wv, bv, Ws, bs):
    # Faithful TransformerConv (PyG) forward: per-edge dot-product attention,
    # softmax grouped by destination node, weighted sum of values, plus skip.
    N = x.shape[0]
    H, C = HEADS, D_OUT
    src = edge_index[0]
    dst = edge_index[1]
    q = (x @ Wq + bq).reshape(N, H, C)
    k = (x @ Wk + bk).reshape(N, H, C)
    v = (x @ Wv + bv).reshape(N, H, C)
    q_i = jnp.take(q, dst, axis=0)   # [E, H, C] (dst / x_i)
    k_j = jnp.take(k, src, axis=0)   # [E, H, C] (src / x_j)
    v_j = jnp.take(v, src, axis=0)   # [E, H, C]
    alpha = jnp.sum(q_i * k_j, axis=-1) / jnp.sqrt(jnp.float32(C))  # [E, H]
    # numerically stable softmax over edges sharing the same dst
    amax = jax.ops.segment_max(alpha, dst, num_segments=N)  # [N, H]
    amax = jnp.where(jnp.isfinite(amax), amax, 0.0)
    ex = jnp.exp(alpha - jnp.take(amax, dst, axis=0))
    denom = jax.ops.segment_sum(ex, dst, num_segments=N)  # [N, H]
    alpha_n = ex / (jnp.take(denom, dst, axis=0) + 1e-16)  # [E, H]
    msg = v_j * alpha_n[..., None]  # [E, H, C]
    out = jax.ops.segment_sum(msg, dst, num_segments=N).reshape(N, H * C)
    # root_weight / skip connection (concat=True default)
    out = out + (x @ Ws + bs)
    return out

if __name__ == "__main__":
    import jax
    _d = setup_inputs()
    print(jax.jit(kernel)(*tuple(_d.values())))

</pallas_src>

<mosaic_0001>
#map = affine_map<(d0, d1) -> (0, 0)>
#map1 = affine_map<(d0, d1) -> (0)>
#map2 = affine_map<(d0, d1) -> (0, 0, 0)>
module attributes {stable_mosaic.version = 14 : i64} {
  func.func @_edge_pass2(%arg0: i32, %arg1: i32, %arg2: memref<10000x128xf32, #tpu.memory_space<hbm>>, %arg3: memref<320000xi32, #tpu.memory_space<hbm>>, %arg4: memref<320000xi32, #tpu.memory_space<hbm>>, %arg5: memref<320000xf32, #tpu.memory_space<hbm>>, %arg6: memref<2x10240xf32, #tpu.memory_space<hbm>>, %arg7: memref<2x10000x128xf32, #tpu.memory_space<hbm>>, %arg8: memref<128xi32, #tpu.memory_space<vmem>>, %arg9: memref<128xi32, #tpu.memory_space<vmem>>, %arg10: memref<128xf32, #tpu.memory_space<vmem>>, %arg11: memref<128x128xf32, #tpu.memory_space<vmem>>, %arg12: memref<10240xf32, #tpu.memory_space<vmem>>, %arg13: memref<640xf32, #tpu.memory_space<vmem>>, %arg14: memref<10240x128xf32, #tpu.memory_space<vmem_shared>>, %arg15: memref<!tpu.dma_semaphore, #tpu.memory_space<semaphore_mem>>) attributes {dimension_semantics = [#tpu.dimension_semantics<core_parallel>, #tpu.dimension_semantics<subcore_parallel>], iteration_bounds = array<i64: 2, 16>, scalar_prefetch = 0 : i64, scratch_operands = 8 : i64, tpu.core_type = #tpu.core_type<sc_vector_subcore>, window_params = [{transform_indices = #map}, {transform_indices = #map1}, {transform_indices = #map1}, {transform_indices = #map1}, {transform_indices = #map}, {transform_indices = #map2}]} {
    %mul3A = arith.constant 2 : i32
    %mul3A_0 = arith.muli %arg1, %mul3A : i32
    %add3A = arith.addi %mul3A_0, %arg0 : i32
    %iota3A = tpu.iota {dimensions = array<i32: 0>} : vector<16xi32>
    %run_scoped3A = arith.constant 0 : i32
    "tpu.region"() ({
      %run_scoped3A_39 = tpu.sem_alloc : memref<!tpu.dma_semaphore, #tpu.memory_space<semaphore_mem>>
      %dma_start3A = arith.constant 0 : i32
      %dma_start3A_40 = tpu.memref_slice %arg6[%run_scoped3A, %dma_start3A] : memref<2x10240xf32, #tpu.memory_space<hbm>> -> memref<1x10240xf32, #tpu.memory_space<hbm>>
      %dma_start3A_41 = tpu.memref_squeeze %dma_start3A_40 : memref<1x10240xf32, #tpu.memory_space<hbm>> -> memref<10240xf32, #tpu.memory_space<hbm>>
      %dma_start3A_42 = arith.constant 0 : i32
      %dma_start3A_43 = tpu.memref_slice %arg6[%run_scoped3A, %dma_start3A_42] : memref<2x10240xf32, #tpu.memory_space<hbm>> -> memref<1x10240xf32, #tpu.memory_space<hbm>>
      %dma_start3A_44 = tpu.memref_squeeze %dma_start3A_43 : memref<1x10240xf32, #tpu.memory_space<hbm>> -> memref<10240xf32, #tpu.memory_space<hbm>>
      tpu.enqueue_dma source(%dma_start3A_44 : memref<10240xf32, #tpu.memory_space<hbm>>) target(%arg12 : memref<10240xf32, #tpu.memory_space<vmem>>) target_semaphore(%run_scoped3A_39 : memref<!tpu.dma_semaphore, #tpu.memory_space<semaphore_mem>>)
      %dma_wait3A = arith.constant 0 : i32
      %dma_wait3A_45 = tpu.memref_slice %arg6[%run_scoped3A, %dma_wait3A] : memref<2x10240xf32, #tpu.memory_space<hbm>> -> memref<1x10240xf32, #tpu.memory_space<hbm>>
      %dma_wait3A_46 = tpu.memref_squeeze %dma_wait3A_45 : memref<1x10240xf32, #tpu.memory_space<hbm>> -> memref<10240xf32, #tpu.memory_space<hbm>>
      %dma_wait3A_47 = arith.constant 0 : i32
      %dma_wait3A_48 = tpu.memref_slice %arg6[%run_scoped3A, %dma_wait3A_47] : memref<2x10240xf32, #tpu.memory_space<hbm>> -> memref<1x10240xf32, #tpu.memory_space<hbm>>
      %dma_wait3A_49 = tpu.memref_squeeze %dma_wait3A_48 : memref<1x10240xf32, #tpu.memory_space<hbm>> -> memref<10240xf32, #tpu.memory_space<hbm>>
      tpu.wait_dma2 semaphore(%run_scoped3A_39 : memref<!tpu.dma_semaphore, #tpu.memory_space<semaphore_mem>>) src(%dma_wait3A_49 : memref<10240xf32, #tpu.memory_space<hbm>>) dst(%arg12 : memref<10240xf32, #tpu.memory_space<vmem>>)
      tpu.yield
    }) : () -> ()
    %scan3A = arith.constant 0 : i32
    %scan3A_1 = arith.constant 0 : i32
    %scan3A_2 = arith.constant 16 : i32
    %scan3A_3 = arith.addi %scan3A_1, %scan3A_2 : i32
    %scan3A_4 = arith.constant 1 : i32
    %scan3A_5 = scf.for %scan3A_39 = %scan3A_1 to %scan3A_3 step %scan3A_4 iter_args(%scan3A_40 = %scan3A) -> (i32)  : i32 {
      %mul3A_41 = arith.constant 640 : i32
      %mul3A_42 = arith.muli %scan3A_39, %mul3A_41 : i32
      %run_scoped3A_43 = arith.constant 1 : i32
      "tpu.region"() ({
        %run_scoped3A_52 = tpu.sem_alloc : memref<!tpu.dma_semaphore, #tpu.memory_space<semaphore_mem>>
        %dma_start3A = tpu.memref_slice %arg6[%run_scoped3A_43, %mul3A_42] : memref<2x10240xf32, #tpu.memory_space<hbm>> -> memref<1x640xf32, #tpu.memory_space<hbm>>
        %dma_start3A_53 = tpu.memref_squeeze %dma_start3A : memref<1x640xf32, #tpu.memory_space<hbm>> -> memref<640xf32, #tpu.memory_space<hbm>>
        %dma_start3A_54 = tpu.memref_slice %arg6[%run_scoped3A_43, %mul3A_42] : memref<2x10240xf32, #tpu.memory_space<hbm>> -> memref<1x640xf32, #tpu.memory_space<hbm>>
        %dma_start3A_55 = tpu.memref_squeeze %dma_start3A_54 : memref<1x640xf32, #tpu.memory_space<hbm>> -> memref<640xf32, #tpu.memory_space<hbm>>
        tpu.enqueue_dma source(%dma_start3A_55 : memref<640xf32, #tpu.memory_space<hbm>>) target(%arg13 : memref<640xf32, #tpu.memory_space<vmem>>) target_semaphore(%run_scoped3A_52 : memref<!tpu.dma_semaphore, #tpu.memory_space<semaphore_mem>>)
        %dma_wait3A = tpu.memref_slice %arg6[%run_scoped3A_43, %mul3A_42] : memref<2x10240xf32, #tpu.memory_space<hbm>> -> memref<1x640xf32, #tpu.memory_space<hbm>>
        %dma_wait3A_56 = tpu.memref_squeeze %dma_wait3A : memref<1x640xf32, #tpu.memory_space<hbm>> -> memref<640xf32, #tpu.memory_space<hbm>>
        %dma_wait3A_57 = tpu.memref_slice %arg6[%run_scoped3A_43, %mul3A_42] : memref<2x10240xf32, #tpu.memory_space<hbm>> -> memref<1x640xf32, #tpu.memory_space<hbm>>
        %dma_wait3A_58 = tpu.memref_squeeze %dma_wait3A_57 : memref<1x640xf32, #tpu.memory_space<hbm>> -> memref<640xf32, #tpu.memory_space<hbm>>
        tpu.wait_dma2 semaphore(%run_scoped3A_52 : memref<!tpu.dma_semaphore, #tpu.memory_space<semaphore_mem>>) src(%dma_wait3A_58 : memref<640xf32, #tpu.memory_space<hbm>>) dst(%arg13 : memref<640xf32, #tpu.memory_space<vmem>>)
        tpu.yield
      }) : () -> ()
      %scan3A_44 = arith.constant 0 : i32
      %scan3A_45 = arith.constant 0 : i32
      %scan3A_46 = arith.constant 40 : i32
      %scan3A_47 = arith.addi %scan3A_45, %scan3A_46 : i32
      %scan3A_48 = arith.constant 1 : i32
      %scan3A_49 = scf.for %scan3A_52 = %scan3A_45 to %scan3A_47 step %scan3A_48 iter_args(%scan3A_53 = %scan3A_44) -> (i32)  : i32 {
        %mul3A_54 = arith.constant 640 : i32
        %mul3A_55 = arith.muli %scan3A_39, %mul3A_54 : i32
        %mul3A_56 = arith.constant 16 : i32
        %mul3A_57 = arith.muli %scan3A_52, %mul3A_56 : i32
        %add3A_58 = arith.addi %mul3A_55, %mul3A_57 : i32
        %get3A = arith.index_cast %add3A_58 : i32 to index
        %get3A_59 = tpu.vector_load %arg12[%get3A] {strides = array<i32>} : memref<10240xf32, #tpu.memory_space<vmem>>, vector<16xf32>,
        %mul3A_60 = arith.constant 16 : i32
        %mul3A_61 = arith.muli %scan3A_52, %mul3A_60 : i32
        %get3A_62 = arith.index_cast %mul3A_61 : i32 to index
        %get3A_63 = tpu.vector_load %arg13[%get3A_62] {strides = array<i32>} : memref<640xf32, #tpu.memory_space<vmem>>, vector<16xf32>,
        %add3A_64 = arith.addf %get3A_59, %get3A_63 : vector<16xf32>
        %add3A_65 = arith.constant 1.000000e-16 : f32
        %add3A_66 = vector.broadcast %add3A_65 : f32 to vector<16xf32>
        %add3A_67 = arith.addf %add3A_64, %add3A_66 : vector<16xf32>
        %swap3A = arith.index_cast %add3A_58 : i32 to index
        %swap3A_68 = tpu.vector_load %arg12[%swap3A] {strides = array<i32>} : memref<10240xf32, #tpu.memory_space<vmem>>, vector<16xf32>,
        tpu.vector_store %arg12[%swap3A], %add3A_67 {strides = array<i32>} : memref<10240xf32, #tpu.memory_space<vmem>>, vector<16xf32>,
        %scan3A_69 = arith.constant 0 : i32
        scf.yield %scan3A_69 : i32
      }
      %scan3A_50 = arith.constant 40 : i32
      %scan3A_51 = arith.constant 0 : i32
      scf.yield %scan3A_51 : i32
    }
    %scan3A_6 = arith.constant 16 : i32
    %scan3A_7 = arith.constant 0 : i32
    %scan3A_8 = arith.constant 0 : i32
    %scan3A_9 = arith.constant 128 : i32
    %scan3A_10 = arith.addi %scan3A_8, %scan3A_9 : i32
    %scan3A_11 = arith.constant 1 : i32
    %scan3A_12 = scf.for %scan3A_39 = %scan3A_8 to %scan3A_10 step %scan3A_11 iter_args(%scan3A_40 = %scan3A_7) -> (i32)  : i32 {
      %jit3A_41 = arith.constant 8 : i32
      %div3A = arith.divsi %scan3A_39, %jit3A_41 : i32
      %sign3A = arith.constant 0 : i32
      %sign3A_42 = arith.cmpi sgt, %scan3A_39, %sign3A : i32
      %sign3A_43 = arith.extui %sign3A_42 : i1 to i32
      %sign3A_44 = arith.constant 0 : i32
      %sign3A_45 = arith.cmpi slt, %scan3A_39, %sign3A_44 : i32
      %sign3A_46 = arith.extui %sign3A_45 : i1 to i32
      %sign3A_47 = arith.subi %sign3A_43, %sign3A_46 : i32
      %sign3A_48 = arith.constant 0 : i32
      %sign3A_49 = arith.cmpi sgt, %jit3A_41, %sign3A_48 : i32
      %sign3A_50 = arith.extui %sign3A_49 : i1 to i32
      %sign3A_51 = arith.constant 0 : i32
      %sign3A_52 = arith.cmpi slt, %jit3A_41, %sign3A_51 : i32
      %sign3A_53 = arith.extui %sign3A_52 : i1 to i32
      %sign3A_54 = arith.subi %sign3A_50, %sign3A_53 : i32
      %ne3A = arith.cmpi ne, %sign3A_47, %sign3A_54 : i32
      %rem3A = arith.remsi %scan3A_39, %jit3A_41 : i32
      %ne3A_55 = arith.constant 0 : i32
      %ne3A_56 = arith.cmpi ne, %rem3A, %ne3A_55 : i32
      %and3A = arith.andi %ne3A, %ne3A_56 : i1
      %sub3A = arith.constant 1 : i32
      %sub3A_57 = arith.subi %div3A, %sub3A : i32
      %select_n3A_58 = arith.select %and3A, %sub3A_57, %div3A : i32
      %jit3A_59 = arith.constant 8 : i32
      %eq3A = arith.constant 0 : i32
      %eq3A_60 = arith.cmpi eq, %jit3A_59, %eq3A : i32
      %jit3A_61 = arith.constant 1 : i32
      %select_n3A_62 = arith.select %eq3A_60, %jit3A_61, %jit3A_59 : i32
      %rem3A_63 = arith.remsi %scan3A_39, %select_n3A_62 : i32
      %ne3A_64 = arith.constant 0 : i32
      %ne3A_65 = arith.cmpi ne, %rem3A_63, %ne3A_64 : i32
      %lt3A_66 = arith.constant 0 : i32
      %lt3A_67 = arith.cmpi slt, %rem3A_63, %lt3A_66 : i32
      %lt3A_68 = arith.constant 0 : i32
      %lt3A_69 = arith.cmpi slt, %select_n3A_62, %lt3A_68 : i32
      %ne3A_70 = arith.xori %lt3A_67, %lt3A_69 : i1
      %and3A_71 = arith.andi %ne3A_70, %ne3A_65 : i1
      %add3A_72 = arith.addi %rem3A_63, %select_n3A_62 : i32
      %select_n3A_73 = arith.select %and3A_71, %add3A_72, %rem3A_63 : i32
      %broadcast_in_dim3A = arith.constant 0.000000e+00 : f32
      %broadcast_in_dim3A_74 = vector.broadcast %broadcast_in_dim3A : f32 to vector<16xf32>
      %mul3A_75 = arith.constant 16 : i32
      %mul3A_76 = arith.muli %select_n3A_73, %mul3A_75 : i32
      %swap3A = arith.index_cast %select_n3A_58 : i32 to index
      %swap3A_77 = arith.index_cast %mul3A_76 : i32 to index
      %swap3A_78 = tpu.vector_load %arg11[%swap3A, %swap3A_77] {strides = array<i32>} : memref<128x128xf32, #tpu.memory_space<vmem>>, vector<16xf32>,
      tpu.vector_store %arg11[%swap3A, %swap3A_77], %broadcast_in_dim3A_74 {strides = array<i32>} : memref<128x128xf32, #tpu.memory_space<vmem>>, vector<16xf32>,
      %scan3A_79 = arith.constant 0 : i32
      scf.yield %scan3A_79 : i32
    }
    %scan3A_13 = arith.constant 128 : i32
    %scan3A_14 = arith.constant 0 : i32
    %scan3A_15 = arith.constant 0 : i32
    %scan3A_16 = arith.constant 40 : i32
    %scan3A_17 = arith.addi %scan3A_15, %scan3A_16 : i32
    %scan3A_18 = arith.constant 1 : i32
    %scan3A_19 = scf.for %scan3A_39 = %scan3A_15 to %scan3A_17 step %scan3A_18 iter_args(%scan3A_40 = %scan3A_14) -> (i32)  : i32 {
      %mul3A_41 = arith.constant 640 : i32
      %mul3A_42 = arith.muli %arg1, %mul3A_41 : i32
      %mul3A_43 = arith.constant 16 : i32
      %mul3A_44 = arith.muli %scan3A_39, %mul3A_43 : i32
      %add3A_45 = arith.addi %mul3A_42, %mul3A_44 : i32
      "tpu.region"() ({
        %run_scoped3A_47 = tpu.sem_alloc : memref<!tpu.dma_semaphore, #tpu.memory_space<semaphore_mem>>
        %dma_start3A = arith.constant 0 : i32
        %dma_start3A_48 = arith.constant 0 : i32
        %dma_start3A_49 = tpu.memref_slice %arg11[%dma_start3A, %dma_start3A_48] : memref<128x128xf32, #tpu.memory_space<vmem>> -> memref<16x128xf32, #tpu.memory_space<vmem>>
        %dma_start3A_50 = arith.constant 0 : i32
        %dma_start3A_51 = tpu.memref_slice %arg14[%add3A_45, %dma_start3A_50] : memref<10240x128xf32, #tpu.memory_space<vmem_shared>> -> memref<16x128xf32, #tpu.memory_space<vmem_shared>>
        %dma_start3A_52 = arith.constant 0 : i32
        %dma_start3A_53 = tpu.memref_slice %arg14[%add3A_45, %dma_start3A_52] : memref<10240x128xf32, #tpu.memory_space<vmem_shared>> -> memref<16x128xf32, #tpu.memory_space<vmem_shared>>
        %dma_start3A_54 = arith.constant 0 : i32
        %dma_start3A_55 = arith.constant 0 : i32
        %dma_start3A_56 = tpu.memref_slice %arg11[%dma_start3A_54, %dma_start3A_55] : memref<128x128xf32, #tpu.memory_space<vmem>> -> memref<16x128xf32, #tpu.memory_space<vmem>>
        tpu.enqueue_dma source(%dma_start3A_56 : memref<16x128xf32, #tpu.memory_space<vmem>>) target(%dma_start3A_53 : memref<16x128xf32, #tpu.memory_space<vmem_shared>>) target_semaphore(%run_scoped3A_47 : memref<!tpu.dma_semaphore, #tpu.memory_space<semaphore_mem>>)
        %dma_wait3A = arith.constant 0 : i32
        %dma_wait3A_57 = arith.constant 0 : i32
        %dma_wait3A_58 = tpu.memref_slice %arg11[%dma_wait3A, %dma_wait3A_57] : memref<128x128xf32, #tpu.memory_space<vmem>> -> memref<16x128xf32, #tpu.memory_space<vmem>>
        %dma_wait3A_59 = arith.constant 0 : i32
        %dma_wait3A_60 = tpu.memref_slice %arg14[%add3A_45, %dma_wait3A_59] : memref<10240x128xf32, #tpu.memory_space<vmem_shared>> -> memref<16x128xf32, #tpu.memory_space<vmem_shared>>
        %dma_wait3A_61 = arith.constant 0 : i32
        %dma_wait3A_62 = tpu.memref_slice %arg14[%add3A_45, %dma_wait3A_61] : memref<10240x128xf32, #tpu.memory_space<vmem_shared>> -> memref<16x128xf32, #tpu.memory_space<vmem_shared>>
        %dma_wait3A_63 = arith.constant 0 : i32
        %dma_wait3A_64 = arith.constant 0 : i32
        %dma_wait3A_65 = tpu.memref_slice %arg11[%dma_wait3A_63, %dma_wait3A_64] : memref<128x128xf32, #tpu.memory_space<vmem>> -> memref<16x128xf32, #tpu.memory_space<vmem>>
        tpu.wait_dma2 semaphore(%run_scoped3A_47 : memref<!tpu.dma_semaphore, #tpu.memory_space<semaphore_mem>>) src(%dma_wait3A_65 : memref<16x128xf32, #tpu.memory_space<vmem>>) dst(%dma_wait3A_62 : memref<16x128xf32, #tpu.memory_space<vmem_shared>>)
        tpu.yield
      }) : () -> ()
      %scan3A_46 = arith.constant 0 : i32
      scf.yield %scan3A_46 : i32
    }
    %scan3A_20 = arith.constant 40 : i32
    %barrier3A = arith.constant 0 : index
    tpu.barrier barrier_id(%barrier3A)
    %lt3A = arith.constant 4 : i32
    %lt3A_21 = arith.cmpi slt, %add3A, %lt3A : i32
    %jit3A = arith.constant 79 : i32
    %jit3A_22 = arith.constant 78 : i32
    %select_n3A = arith.select %lt3A_21, %jit3A, %jit3A_22 : i32
    %while3A = arith.constant 0 : i32
    %while3A_23 = arith.constant 0 : i32
    %while3A_24 = arith.subi %select_n3A, %while3A : i32
    %while3A_25 = arith.addi %while3A, %while3A_24 : i32
    %while3A_26 = arith.constant 1 : i32
    %while3A_27 = arith.divsi %while3A_24, %while3A_26 : i32
    %while3A_28 = arith.muli %while3A_27, %while3A_26 : i32
    %while3A_29 = arith.addi %while3A, %while3A_28 : i32
    %while3A_30 = arith.constant 1 : i32
    %while3A_31 = scf.for %while3A_39 = %while3A to %while3A_29 step %while3A_30 iter_args(%while3A_40 = %while3A_23) -> (i32)  : i32 {
      %mul3A_41 = arith.constant 32 : i32
      %mul3A_42 = arith.muli %while3A_39, %mul3A_41 : i32
      %add3A_43 = arith.addi %add3A, %mul3A_42 : i32
      %mul3A_44 = arith.constant 128 : i32
      %mul3A_45 = arith.muli %add3A_43, %mul3A_44 : i32
      "tpu.region"() ({
        %run_scoped3A_176 = tpu.sem_alloc : memref<!tpu.dma_semaphore, #tpu.memory_space<semaphore_mem>>
        %dma_start3A_177 = tpu.memref_slice %arg4[%mul3A_45] : memref<320000xi32, #tpu.memory_space<hbm>> -> memref<128xi32, #tpu.memory_space<hbm>>
        %dma_start3A_178 = tpu.memref_slice %arg4[%mul3A_45] : memref<320000xi32, #tpu.memory_space<hbm>> -> memref<128xi32, #tpu.memory_space<hbm>>
        tpu.enqueue_dma source(%dma_start3A_178 : memref<128xi32, #tpu.memory_space<hbm>>) target(%arg8 : memref<128xi32, #tpu.memory_space<vmem>>) target_semaphore(%run_scoped3A_176 : memref<!tpu.dma_semaphore, #tpu.memory_space<semaphore_mem>>)
        %dma_wait3A_179 = tpu.memref_slice %arg4[%mul3A_45] : memref<320000xi32, #tpu.memory_space<hbm>> -> memref<128xi32, #tpu.memory_space<hbm>>
        %dma_wait3A_180 = tpu.memref_slice %arg4[%mul3A_45] : memref<320000xi32, #tpu.memory_space<hbm>> -> memref<128xi32, #tpu.memory_space<hbm>>
        tpu.wait_dma2 semaphore(%run_scoped3A_176 : memref<!tpu.dma_semaphore, #tpu.memory_space<semaphore_mem>>) src(%dma_wait3A_180 : memref<128xi32, #tpu.memory_space<hbm>>) dst(%arg8 : memref<128xi32, #tpu.memory_space<vmem>>)
        tpu.yield
      }) : () -> ()
      "tpu.region"() ({
        %run_scoped3A_176 = tpu.sem_alloc : memref<!tpu.dma_semaphore, #tpu.memory_space<semaphore_mem>>
        %dma_start3A_177 = tpu.memref_slice %arg3[%mul3A_45] : memref<320000xi32, #tpu.memory_space<hbm>> -> memref<128xi32, #tpu.memory_space<hbm>>
        %dma_start3A_178 = tpu.memref_slice %arg3[%mul3A_45] : memref<320000xi32, #tpu.memory_space<hbm>> -> memref<128xi32, #tpu.memory_space<hbm>>
        tpu.enqueue_dma source(%dma_start3A_178 : memref<128xi32, #tpu.memory_space<hbm>>) target(%arg9 : memref<128xi32, #tpu.memory_space<vmem>>) target_semaphore(%run_scoped3A_176 : memref<!tpu.dma_semaphore, #tpu.memory_space<semaphore_mem>>)
        %dma_wait3A_179 = tpu.memref_slice %arg3[%mul3A_45] : memref<320000xi32, #tpu.memory_space<hbm>> -> memref<128xi32, #tpu.memory_space<hbm>>
        %dma_wait3A_180 = tpu.memref_slice %arg3[%mul3A_45] : memref<320000xi32, #tpu.memory_space<hbm>> -> memref<128xi32, #tpu.memory_space<hbm>>
        tpu.wait_dma2 semaphore(%run_scoped3A_176 : memref<!tpu.dma_semaphore, #tpu.memory_space<semaphore_mem>>) src(%dma_wait3A_180 : memref<128xi32, #tpu.memory_space<hbm>>) dst(%arg9 : memref<128xi32, #tpu.memory_space<vmem>>)
        tpu.yield
      }) : () -> ()
      "tpu.region"() ({
        %run_scoped3A_176 = tpu.sem_alloc : memref<!tpu.dma_semaphore, #tpu.memory_space<semaphore_mem>>
        %dma_start3A_177 = tpu.memref_slice %arg5[%mul3A_45] : memref<320000xf32, #tpu.memory_space<hbm>> -> memref<128xf32, #tpu.memory_space<hbm>>
        %dma_start3A_178 = tpu.memref_slice %arg5[%mul3A_45] : memref<320000xf32, #tpu.memory_space<hbm>> -> memref<128xf32, #tpu.memory_space<hbm>>
        tpu.enqueue_dma source(%dma_start3A_178 : memref<128xf32, #tpu.memory_space<hbm>>) target(%arg10 : memref<128xf32, #tpu.memory_space<vmem>>) target_semaphore(%run_scoped3A_176 : memref<!tpu.dma_semaphore, #tpu.memory_space<semaphore_mem>>)
        %dma_wait3A_179 = tpu.memref_slice %arg5[%mul3A_45] : memref<320000xf32, #tpu.memory_space<hbm>> -> memref<128xf32, #tpu.memory_space<hbm>>
        %dma_wait3A_180 = tpu.memref_slice %arg5[%mul3A_45] : memref<320000xf32, #tpu.memory_space<hbm>> -> memref<128xf32, #tpu.memory_space<hbm>>
        tpu.wait_dma2 semaphore(%run_scoped3A_176 : memref<!tpu.dma_semaphore, #tpu.memory_space<semaphore_mem>>) src(%dma_wait3A_180 : memref<128xf32, #tpu.memory_space<hbm>>) dst(%arg10 : memref<128xf32, #tpu.memory_space<vmem>>)
        tpu.yield
      }) : () -> ()
      %dma_start3A = arith.constant 0 : i32
      %dma_start3A_46 = arith.constant 0 : i32
      %dma_start3A_47 = tpu.memref_slice %arg2[%dma_start3A, %dma_start3A_46] : memref<10000x128xf32, #tpu.memory_space<hbm>> -> memref<10000x128xf32, #tpu.memory_space<hbm>>
      tpu.enqueue_indirect_dma source(%dma_start3A_47 : memref<10000x128xf32, #tpu.memory_space<hbm>>) target(%arg11 : memref<128x128xf32, #tpu.memory_space<vmem>>) offsets(%arg9 : memref<128xi32, #tpu.memory_space<vmem>>) semaphore(%arg15 : memref<!tpu.dma_semaphore, #tpu.memory_space<semaphore_mem>>)
      %dma_wait3A = arith.constant 0 : i32
      %dma_wait3A_48 = arith.constant 0 : i32
      %dma_wait3A_49 = tpu.memref_slice %arg2[%dma_wait3A, %dma_wait3A_48] : memref<10000x128xf32, #tpu.memory_space<hbm>> -> memref<10000x128xf32, #tpu.memory_space<hbm>>
      tpu.wait_indirect_dma semaphore(%arg15 : memref<!tpu.dma_semaphore, #tpu.memory_space<semaphore_mem>>) src(%dma_wait3A_49 : memref<10000x128xf32, #tpu.memory_space<hbm>>) dst(%arg11 : memref<128x128xf32, #tpu.memory_space<vmem>>)
      %add3A_50 = arith.constant 0 : i32
      %add3A_51 = vector.broadcast %add3A_50 : i32 to vector<16xi32>
      %add3A_52 = arith.addi %add3A_51, %iota3A : vector<16xi32>
      %get3A = arith.constant 0 : index
      %get3A_53 = tpu.vector_load %arg8[%get3A] {strides = array<i32>} : memref<128xi32, #tpu.memory_space<vmem>>, vector<16xi32>,
      %gather3A = tpu.vector_load_idx %arg12[%get3A_53] : memref<10240xf32, #tpu.memory_space<vmem>>[vector<16xi32>], vector<16xf32>,
      %get3A_54 = arith.constant 0 : index
      %get3A_55 = tpu.vector_load %arg10[%get3A_54] {strides = array<i32>} : memref<128xf32, #tpu.memory_space<vmem>>, vector<16xf32>,
      %div3A = arith.divf %get3A_55, %gather3A : vector<16xf32>
      %scan3A_56 = arith.constant 0 : i32
      %scan3A_57 = arith.constant 0 : i32
      %scan3A_58 = arith.constant 128 : i32
      %scan3A_59 = arith.addi %scan3A_57, %scan3A_58 : i32
      %scan3A_60 = arith.constant 1 : i32
      %scan3A_61 = scf.for %scan3A_176 = %scan3A_57 to %scan3A_59 step %scan3A_60 iter_args(%scan3A_177 = %scan3A_56) -> (i32)  : i32 {
        %broadcast_in_dim3A = vector.broadcast %scan3A_176 : i32 to vector<16xi32>
        %gather3A_178 = tpu.vector_load_idx %arg11[%add3A_52, %broadcast_in_dim3A] : memref<128x128xf32, #tpu.memory_space<vmem>>[vector<16xi32>, vector<16xi32>], vector<16xf32>,
        %mul3A_179 = arith.mulf %div3A, %gather3A_178 : vector<16xf32>
        tpu.vector_store_idx %arg11[%add3A_52, %broadcast_in_dim3A], %mul3A_179 : memref<128x128xf32, #tpu.memory_space<vmem>>[vector<16xi32>, vector<16xi32>], vector<16xf32>,
        %scan3A_180 = arith.constant 0 : i32
        scf.yield %scan3A_180 : i32
      }
      %scan3A_62 = arith.constant 128 : i32
      %add3A_63 = arith.constant 16 : i32
      %add3A_64 = vector.broadcast %add3A_63 : i32 to vector<16xi32>
      %add3A_65 = arith.addi %add3A_64, %iota3A : vector<16xi32>
      %get3A_66 = arith.constant 16 : index
      %get3A_67 = tpu.vector_load %arg8[%get3A_66] {strides = array<i32>} : memref<128xi32, #tpu.memory_space<vmem>>, vector<16xi32>,
      %gather3A_68 = tpu.vector_load_idx %arg12[%get3A_67] : memref<10240xf32, #tpu.memory_space<vmem>>[vector<16xi32>], vector<16xf32>,
      %get3A_69 = arith.constant 16 : index
      %get3A_70 = tpu.vector_load %arg10[%get3A_69] {strides = array<i32>} : memref<128xf32, #tpu.memory_space<vmem>>, vector<16xf32>,
      %div3A_71 = arith.divf %get3A_70, %gather3A_68 : vector<16xf32>
      %scan3A_72 = arith.constant 0 : i32
      %scan3A_73 = arith.constant 0 : i32
      %scan3A_74 = arith.constant 128 : i32
      %scan3A_75 = arith.addi %scan3A_73, %scan3A_74 : i32
      %scan3A_76 = arith.constant 1 : i32
      %scan3A_77 = scf.for %scan3A_176 = %scan3A_73 to %scan3A_75 step %scan3A_76 iter_args(%scan3A_177 = %scan3A_72) -> (i32)  : i32 {
        %broadcast_in_dim3A = vector.broadcast %scan3A_176 : i32 to vector<16xi32>
        %gather3A_178 = tpu.vector_load_idx %arg11[%add3A_65, %broadcast_in_dim3A] : memref<128x128xf32, #tpu.memory_space<vmem>>[vector<16xi32>, vector<16xi32>], vector<16xf32>,
        %mul3A_179 = arith.mulf %div3A_71, %gather3A_178 : vector<16xf32>
        tpu.vector_store_idx %arg11[%add3A_65, %broadcast_in_dim3A], %mul3A_179 : memref<128x128xf32, #tpu.memory_space<vmem>>[vector<16xi32>, vector<16xi32>], vector<16xf32>,
        %scan3A_180 = arith.constant 0 : i32
        scf.yield %scan3A_180 : i32
      }
      %scan3A_78 = arith.constant 128 : i32
      %add3A_79 = arith.constant 32 : i32
      %add3A_80 = vector.broadcast %add3A_79 : i32 to vector<16xi32>
      %add3A_81 = arith.addi %add3A_80, %iota3A : vector<16xi32>
      %get3A_82 = arith.constant 32 : index
      %get3A_83 = tpu.vector_load %arg8[%get3A_82] {strides = array<i32>} : memref<128xi32, #tpu.memory_space<vmem>>, vector<16xi32>,
      %gather3A_84 = tpu.vector_load_idx %arg12[%get3A_83] : memref<10240xf32, #tpu.memory_space<vmem>>[vector<16xi32>], vector<16xf32>,
      %get3A_85 = arith.constant 32 : index
      %get3A_86 = tpu.vector_load %arg10[%get3A_85] {strides = array<i32>} : memref<128xf32, #tpu.memory_space<vmem>>, vector<16xf32>,
      %div3A_87 = arith.divf %get3A_86, %gather3A_84 : vector<16xf32>
      %scan3A_88 = arith.constant 0 : i32
      %scan3A_89 = arith.constant 0 : i32
      %scan3A_90 = arith.constant 128 : i32
      %scan3A_91 = arith.addi %scan3A_89, %scan3A_90 : i32
      %scan3A_92 = arith.constant 1 : i32
      %scan3A_93 = scf.for %scan3A_176 = %scan3A_89 to %scan3A_91 step %scan3A_92 iter_args(%scan3A_177 = %scan3A_88) -> (i32)  : i32 {
        %broadcast_in_dim3A = vector.broadcast %scan3A_176 : i32 to vector<16xi32>
        %gather3A_178 = tpu.vector_load_idx %arg11[%add3A_81, %broadcast_in_dim3A] : memref<128x128xf32, #tpu.memory_space<vmem>>[vector<16xi32>, vector<16xi32>], vector<16xf32>,
        %mul3A_179 = arith.mulf %div3A_87, %gather3A_178 : vector<16xf32>
        tpu.vector_store_idx %arg11[%add3A_81, %broadcast_in_dim3A], %mul3A_179 : memref<128x128xf32, #tpu.memory_space<vmem>>[vector<16xi32>, vector<16xi32>], vector<16xf32>,
        %scan3A_180 = arith.constant 0 : i32
        scf.yield %scan3A_180 : i32
      }
      %scan3A_94 = arith.constant 128 : i32
      %add3A_95 = arith.constant 48 : i32
      %add3A_96 = vector.broadcast %add3A_95 : i32 to vector<16xi32>
      %add3A_97 = arith.addi %add3A_96, %iota3A : vector<16xi32>
      %get3A_98 = arith.constant 48 : index
      %get3A_99 = tpu.vector_load %arg8[%get3A_98] {strides = array<i32>} : memref<128xi32, #tpu.memory_space<vmem>>, vector<16xi32>,
      %gather3A_100 = tpu.vector_load_idx %arg12[%get3A_99] : memref<10240xf32, #tpu.memory_space<vmem>>[vector<16xi32>], vector<16xf32>,
      %get3A_101 = arith.constant 48 : index
      %get3A_102 = tpu.vector_load %arg10[%get3A_101] {strides = array<i32>} : memref<128xf32, #tpu.memory_space<vmem>>, vector<16xf32>,
      %div3A_103 = arith.divf %get3A_102, %gather3A_100 : vector<16xf32>
      %scan3A_104 = arith.constant 0 : i32
      %scan3A_105 = arith.constant 0 : i32
      %scan3A_106 = arith.constant 128 : i32
      %scan3A_107 = arith.addi %scan3A_105, %scan3A_106 : i32
      %scan3A_108 = arith.constant 1 : i32
      %scan3A_109 = scf.for %scan3A_176 = %scan3A_105 to %scan3A_107 step %scan3A_108 iter_args(%scan3A_177 = %scan3A_104) -> (i32)  : i32 {
        %broadcast_in_dim3A = vector.broadcast %scan3A_176 : i32 to vector<16xi32>
        %gather3A_178 = tpu.vector_load_idx %arg11[%add3A_97, %broadcast_in_dim3A] : memref<128x128xf32, #tpu.memory_space<vmem>>[vector<16xi32>, vector<16xi32>], vector<16xf32>,
        %mul3A_179 = arith.mulf %div3A_103, %gather3A_178 : vector<16xf32>
        tpu.vector_store_idx %arg11[%add3A_97, %broadcast_in_dim3A], %mul3A_179 : memref<128x128xf32, #tpu.memory_space<vmem>>[vector<16xi32>, vector<16xi32>], vector<16xf32>,
        %scan3A_180 = arith.constant 0 : i32
        scf.yield %scan3A_180 : i32
      }
      %scan3A_110 = arith.constant 128 : i32
      %add3A_111 = arith.constant 64 : i32
      %add3A_112 = vector.broadcast %add3A_111 : i32 to vector<16xi32>
      %add3A_113 = arith.addi %add3A_112, %iota3A : vector<16xi32>
      %get3A_114 = arith.constant 64 : index
      %get3A_115 = tpu.vector_load %arg8[%get3A_114] {strides = array<i32>} : memref<128xi32, #tpu.memory_space<vmem>>, vector<16xi32>,
      %gather3A_116 = tpu.vector_load_idx %arg12[%get3A_115] : memref<10240xf32, #tpu.memory_space<vmem>>[vector<16xi32>], vector<16xf32>,
      %get3A_117 = arith.constant 64 : index
      %get3A_118 = tpu.vector_load %arg10[%get3A_117] {strides = array<i32>} : memref<128xf32, #tpu.memory_space<vmem>>, vector<16xf32>,
      %div3A_119 = arith.divf %get3A_118, %gather3A_116 : vector<16xf32>
      %scan3A_120 = arith.constant 0 : i32
      %scan3A_121 = arith.constant 0 : i32
      %scan3A_122 = arith.constant 128 : i32
      %scan3A_123 = arith.addi %scan3A_121, %scan3A_122 : i32
      %scan3A_124 = arith.constant 1 : i32
      %scan3A_125 = scf.for %scan3A_176 = %scan3A_121 to %scan3A_123 step %scan3A_124 iter_args(%scan3A_177 = %scan3A_120) -> (i32)  : i32 {
        %broadcast_in_dim3A = vector.broadcast %scan3A_176 : i32 to vector<16xi32>
        %gather3A_178 = tpu.vector_load_idx %arg11[%add3A_113, %broadcast_in_dim3A] : memref<128x128xf32, #tpu.memory_space<vmem>>[vector<16xi32>, vector<16xi32>], vector<16xf32>,
        %mul3A_179 = arith.mulf %div3A_119, %gather3A_178 : vector<16xf32>
        tpu.vector_store_idx %arg11[%add3A_113, %broadcast_in_dim3A], %mul3A_179 : memref<128x128xf32, #tpu.memory_space<vmem>>[vector<16xi32>, vector<16xi32>], vector<16xf32>,
        %scan3A_180 = arith.constant 0 : i32
        scf.yield %scan3A_180 : i32
      }
      %scan3A_126 = arith.constant 128 : i32
      %add3A_127 = arith.constant 80 : i32
      %add3A_128 = vector.broadcast %add3A_127 : i32 to vector<16xi32>
      %add3A_129 = arith.addi %add3A_128, %iota3A : vector<16xi32>
      %get3A_130 = arith.constant 80 : index
      %get3A_131 = tpu.vector_load %arg8[%get3A_130] {strides = array<i32>} : memref<128xi32, #tpu.memory_space<vmem>>, vector<16xi32>,
      %gather3A_132 = tpu.vector_load_idx %arg12[%get3A_131] : memref<10240xf32, #tpu.memory_space<vmem>>[vector<16xi32>], vector<16xf32>,
      %get3A_133 = arith.constant 80 : index
      %get3A_134 = tpu.vector_load %arg10[%get3A_133] {strides = array<i32>} : memref<128xf32, #tpu.memory_space<vmem>>, vector<16xf32>,
      %div3A_135 = arith.divf %get3A_134, %gather3A_132 : vector<16xf32>
      %scan3A_136 = arith.constant 0 : i32
      %scan3A_137 = arith.constant 0 : i32
      %scan3A_138 = arith.constant 128 : i32
      %scan3A_139 = arith.addi %scan3A_137, %scan3A_138 : i32
      %scan3A_140 = arith.constant 1 : i32
      %scan3A_141 = scf.for %scan3A_176 = %scan3A_137 to %scan3A_139 step %scan3A_140 iter_args(%scan3A_177 = %scan3A_136) -> (i32)  : i32 {
        %broadcast_in_dim3A = vector.broadcast %scan3A_176 : i32 to vector<16xi32>
        %gather3A_178 = tpu.vector_load_idx %arg11[%add3A_129, %broadcast_in_dim3A] : memref<128x128xf32, #tpu.memory_space<vmem>>[vector<16xi32>, vector<16xi32>], vector<16xf32>,
        %mul3A_179 = arith.mulf %div3A_135, %gather3A_178 : vector<16xf32>
        tpu.vector_store_idx %arg11[%add3A_129, %broadcast_in_dim3A], %mul3A_179 : memref<128x128xf32, #tpu.memory_space<vmem>>[vector<16xi32>, vector<16xi32>], vector<16xf32>,
        %scan3A_180 = arith.constant 0 : i32
        scf.yield %scan3A_180 : i32
      }
      %scan3A_142 = arith.constant 128 : i32
      %add3A_143 = arith.constant 96 : i32
      %add3A_144 = vector.broadcast %add3A_143 : i32 to vector<16xi32>
      %add3A_145 = arith.addi %add3A_144, %iota3A : vector<16xi32>
      %get3A_146 = arith.constant 96 : index
      %get3A_147 = tpu.vector_load %arg8[%get3A_146] {strides = array<i32>} : memref<128xi32, #tpu.memory_space<vmem>>, vector<16xi32>,
      %gather3A_148 = tpu.vector_load_idx %arg12[%get3A_147] : memref<10240xf32, #tpu.memory_space<vmem>>[vector<16xi32>], vector<16xf32>,
      %get3A_149 = arith.constant 96 : index
      %get3A_150 = tpu.vector_load %arg10[%get3A_149] {strides = array<i32>} : memref<128xf32, #tpu.memory_space<vmem>>, vector<16xf32>,
      %div3A_151 = arith.divf %get3A_150, %gather3A_148 : vector<16xf32>
      %scan3A_152 = arith.constant 0 : i32
      %scan3A_153 = arith.constant 0 : i32
      %scan3A_154 = arith.constant 128 : i32
      %scan3A_155 = arith.addi %scan3A_153, %scan3A_154 : i32
      %scan3A_156 = arith.constant 1 : i32
      %scan3A_157 = scf.for %scan3A_176 = %scan3A_153 to %scan3A_155 step %scan3A_156 iter_args(%scan3A_177 = %scan3A_152) -> (i32)  : i32 {
        %broadcast_in_dim3A = vector.broadcast %scan3A_176 : i32 to vector<16xi32>
        %gather3A_178 = tpu.vector_load_idx %arg11[%add3A_145, %broadcast_in_dim3A] : memref<128x128xf32, #tpu.memory_space<vmem>>[vector<16xi32>, vector<16xi32>], vector<16xf32>,
        %mul3A_179 = arith.mulf %div3A_151, %gather3A_178 : vector<16xf32>
        tpu.vector_store_idx %arg11[%add3A_145, %broadcast_in_dim3A], %mul3A_179 : memref<128x128xf32, #tpu.memory_space<vmem>>[vector<16xi32>, vector<16xi32>], vector<16xf32>,
        %scan3A_180 = arith.constant 0 : i32
        scf.yield %scan3A_180 : i32
      }
      %scan3A_158 = arith.constant 128 : i32
      %add3A_159 = arith.constant 112 : i32
      %add3A_160 = vector.broadcast %add3A_159 : i32 to vector<16xi32>
      %add3A_161 = arith.addi %add3A_160, %iota3A : vector<16xi32>
      %get3A_162 = arith.constant 112 : index
      %get3A_163 = tpu.vector_load %arg8[%get3A_162] {strides = array<i32>} : memref<128xi32, #tpu.memory_space<vmem>>, vector<16xi32>,
      %gather3A_164 = tpu.vector_load_idx %arg12[%get3A_163] : memref<10240xf32, #tpu.memory_space<vmem>>[vector<16xi32>], vector<16xf32>,
      %get3A_165 = arith.constant 112 : index
      %get3A_166 = tpu.vector_load %arg10[%get3A_165] {strides = array<i32>} : memref<128xf32, #tpu.memory_space<vmem>>, vector<16xf32>,
      %div3A_167 = arith.divf %get3A_166, %gather3A_164 : vector<16xf32>
      %scan3A_168 = arith.constant 0 : i32
      %scan3A_169 = arith.constant 0 : i32
      %scan3A_170 = arith.constant 128 : i32
      %scan3A_171 = arith.addi %scan3A_169, %scan3A_170 : i32
      %scan3A_172 = arith.constant 1 : i32
      %scan3A_173 = scf.for %scan3A_176 = %scan3A_169 to %scan3A_171 step %scan3A_172 iter_args(%scan3A_177 = %scan3A_168) -> (i32)  : i32 {
        %broadcast_in_dim3A = vector.broadcast %scan3A_176 : i32 to vector<16xi32>
        %gather3A_178 = tpu.vector_load_idx %arg11[%add3A_161, %broadcast_in_dim3A] : memref<128x128xf32, #tpu.memory_space<vmem>>[vector<16xi32>, vector<16xi32>], vector<16xf32>,
        %mul3A_179 = arith.mulf %div3A_167, %gather3A_178 : vector<16xf32>
        tpu.vector_store_idx %arg11[%add3A_161, %broadcast_in_dim3A], %mul3A_179 : memref<128x128xf32, #tpu.memory_space<vmem>>[vector<16xi32>, vector<16xi32>], vector<16xf32>,
        %scan3A_180 = arith.constant 0 : i32
        scf.yield %scan3A_180 : i32
      }
      %scan3A_174 = arith.constant 128 : i32
      "tpu.region"() ({
        %run_scoped3A_176 = tpu.sem_alloc : memref<!tpu.dma_semaphore, #tpu.memory_space<semaphore_mem>>
        %dma_start3A_177 = arith.constant 0 : i32
        %dma_start3A_178 = arith.constant 0 : i32
        %dma_start3A_179 = tpu.memref_slice %arg14[%dma_start3A_177, %dma_start3A_178] : memref<10240x128xf32, #tpu.memory_space<vmem_shared>> -> memref<10240x128xf32, #tpu.memory_space<vmem_shared>>
        tpu.enqueue_indirect_dma source(%arg11 : memref<128x128xf32, #tpu.memory_space<vmem>>) target(%dma_start3A_179 : memref<10240x128xf32, #tpu.memory_space<vmem_shared>>) offsets(%arg8 : memref<128xi32, #tpu.memory_space<vmem>>) semaphore(%run_scoped3A_176 : memref<!tpu.dma_semaphore, #tpu.memory_space<semaphore_mem>>) {add = true}
        %dma_wait3A_180 = arith.constant 0 : i32
        %dma_wait3A_181 = arith.constant 0 : i32
        %dma_wait3A_182 = tpu.memref_slice %arg14[%dma_wait3A_180, %dma_wait3A_181] : memref<10240x128xf32, #tpu.memory_space<vmem_shared>> -> memref<10240x128xf32, #tpu.memory_space<vmem_shared>>
        tpu.wait_indirect_dma semaphore(%run_scoped3A_176 : memref<!tpu.dma_semaphore, #tpu.memory_space<semaphore_mem>>) src(%arg11 : memref<128x128xf32, #tpu.memory_space<vmem>>) dst(%dma_wait3A_182 : memref<10240x128xf32, #tpu.memory_space<vmem_shared>>)
        tpu.yield
      }) : () -> ()
      %while3A_175 = arith.constant 0 : i32
      scf.yield %while3A_175 : i32
    }
    %while3A_32 = arith.constant 1 : i32
    %while3A_33 = scf.for %while3A_39 = %while3A_29 to %while3A_25 step %while3A_32 iter_args(%while3A_40 = %while3A_31) -> (i32)  : i32 {
      %mul3A_41 = arith.constant 32 : i32
      %mul3A_42 = arith.muli %while3A_39, %mul3A_41 : i32
      %add3A_43 = arith.addi %add3A, %mul3A_42 : i32
      %mul3A_44 = arith.constant 128 : i32
      %mul3A_45 = arith.muli %add3A_43, %mul3A_44 : i32
      "tpu.region"() ({
        %run_scoped3A_176 = tpu.sem_alloc : memref<!tpu.dma_semaphore, #tpu.memory_space<semaphore_mem>>
        %dma_start3A_177 = tpu.memref_slice %arg4[%mul3A_45] : memref<320000xi32, #tpu.memory_space<hbm>> -> memref<128xi32, #tpu.memory_space<hbm>>
        %dma_start3A_178 = tpu.memref_slice %arg4[%mul3A_45] : memref<320000xi32, #tpu.memory_space<hbm>> -> memref<128xi32, #tpu.memory_space<hbm>>
        tpu.enqueue_dma source(%dma_start3A_178 : memref<128xi32, #tpu.memory_space<hbm>>) target(%arg8 : memref<128xi32, #tpu.memory_space<vmem>>) target_semaphore(%run_scoped3A_176 : memref<!tpu.dma_semaphore, #tpu.memory_space<semaphore_mem>>)
        %dma_wait3A_179 = tpu.memref_slice %arg4[%mul3A_45] : memref<320000xi32, #tpu.memory_space<hbm>> -> memref<128xi32, #tpu.memory_space<hbm>>
        %dma_wait3A_180 = tpu.memref_slice %arg4[%mul3A_45] : memref<320000xi32, #tpu.memory_space<hbm>> -> memref<128xi32, #tpu.memory_space<hbm>>
        tpu.wait_dma2 semaphore(%run_scoped3A_176 : memref<!tpu.dma_semaphore, #tpu.memory_space<semaphore_mem>>) src(%dma_wait3A_180 : memref<128xi32, #tpu.memory_space<hbm>>) dst(%arg8 : memref<128xi32, #tpu.memory_space<vmem>>)
        tpu.yield
      }) : () -> ()
      "tpu.region"() ({
        %run_scoped3A_176 = tpu.sem_alloc : memref<!tpu.dma_semaphore, #tpu.memory_space<semaphore_mem>>
        %dma_start3A_177 = tpu.memref_slice %arg3[%mul3A_45] : memref<320000xi32, #tpu.memory_space<hbm>> -> memref<128xi32, #tpu.memory_space<hbm>>
        %dma_start3A_178 = tpu.memref_slice %arg3[%mul3A_45] : memref<320000xi32, #tpu.memory_space<hbm>> -> memref<128xi32, #tpu.memory_space<hbm>>
        tpu.enqueue_dma source(%dma_start3A_178 : memref<128xi32, #tpu.memory_space<hbm>>) target(%arg9 : memref<128xi32, #tpu.memory_space<vmem>>) target_semaphore(%run_scoped3A_176 : memref<!tpu.dma_semaphore, #tpu.memory_space<semaphore_mem>>)
        %dma_wait3A_179 = tpu.memref_slice %arg3[%mul3A_45] : memref<320000xi32, #tpu.memory_space<hbm>> -> memref<128xi32, #tpu.memory_space<hbm>>
        %dma_wait3A_180 = tpu.memref_slice %arg3[%mul3A_45] : memref<320000xi32, #tpu.memory_space<hbm>> -> memref<128xi32, #tpu.memory_space<hbm>>
        tpu.wait_dma2 semaphore(%run_scoped3A_176 : memref<!tpu.dma_semaphore, #tpu.memory_space<semaphore_mem>>) src(%dma_wait3A_180 : memref<128xi32, #tpu.memory_space<hbm>>) dst(%arg9 : memref<128xi32, #tpu.memory_space<vmem>>)
        tpu.yield
      }) : () -> ()
      "tpu.region"() ({
        %run_scoped3A_176 = tpu.sem_alloc : memref<!tpu.dma_semaphore, #tpu.memory_space<semaphore_mem>>
        %dma_start3A_177 = tpu.memref_slice %arg5[%mul3A_45] : memref<320000xf32, #tpu.memory_space<hbm>> -> memref<128xf32, #tpu.memory_space<hbm>>
        %dma_start3A_178 = tpu.memref_slice %arg5[%mul3A_45] : memref<320000xf32, #tpu.memory_space<hbm>> -> memref<128xf32, #tpu.memory_space<hbm>>
        tpu.enqueue_dma source(%dma_start3A_178 : memref<128xf32, #tpu.memory_space<hbm>>) target(%arg10 : memref<128xf32, #tpu.memory_space<vmem>>) target_semaphore(%run_scoped3A_176 : memref<!tpu.dma_semaphore, #tpu.memory_space<semaphore_mem>>)
        %dma_wait3A_179 = tpu.memref_slice %arg5[%mul3A_45] : memref<320000xf32, #tpu.memory_space<hbm>> -> memref<128xf32, #tpu.memory_space<hbm>>
        %dma_wait3A_180 = tpu.memref_slice %arg5[%mul3A_45] : memref<320000xf32, #tpu.memory_space<hbm>> -> memref<128xf32, #tpu.memory_space<hbm>>
        tpu.wait_dma2 semaphore(%run_scoped3A_176 : memref<!tpu.dma_semaphore, #tpu.memory_space<semaphore_mem>>) src(%dma_wait3A_180 : memref<128xf32, #tpu.memory_space<hbm>>) dst(%arg10 : memref<128xf32, #tpu.memory_space<vmem>>)
        tpu.yield
      }) : () -> ()
      %dma_start3A = arith.constant 0 : i32
      %dma_start3A_46 = arith.constant 0 : i32
      %dma_start3A_47 = tpu.memref_slice %arg2[%dma_start3A, %dma_start3A_46] : memref<10000x128xf32, #tpu.memory_space<hbm>> -> memref<10000x128xf32, #tpu.memory_space<hbm>>
      tpu.enqueue_indirect_dma source(%dma_start3A_47 : memref<10000x128xf32, #tpu.memory_space<hbm>>) target(%arg11 : memref<128x128xf32, #tpu.memory_space<vmem>>) offsets(%arg9 : memref<128xi32, #tpu.memory_space<vmem>>) semaphore(%arg15 : memref<!tpu.dma_semaphore, #tpu.memory_space<semaphore_mem>>)
      %dma_wait3A = arith.constant 0 : i32
      %dma_wait3A_48 = arith.constant 0 : i32
      %dma_wait3A_49 = tpu.memref_slice %arg2[%dma_wait3A, %dma_wait3A_48] : memref<10000x128xf32, #tpu.memory_space<hbm>> -> memref<10000x128xf32, #tpu.memory_space<hbm>>
      tpu.wait_indirect_dma semaphore(%arg15 : memref<!tpu.dma_semaphore, #tpu.memory_space<semaphore_mem>>) src(%dma_wait3A_49 : memref<10000x128xf32, #tpu.memory_space<hbm>>) dst(%arg11 : memref<128x128xf32, #tpu.memory_space<vmem>>)
      %add3A_50 = arith.constant 0 : i32
      %add3A_51 = vector.broadcast %add3A_50 : i32 to vector<16xi32>
      %add3A_52 = arith.addi %add3A_51, %iota3A : vector<16xi32>
      %get3A = arith.constant 0 : index
      %get3A_53 = tpu.vector_load %arg8[%get3A] {strides = array<i32>} : memref<128xi32, #tpu.memory_space<vmem>>, vector<16xi32>,
      %gather3A = tpu.vector_load_idx %arg12[%get3A_53] : memref<10240xf32, #tpu.memory_space<vmem>>[vector<16xi32>], vector<16xf32>,
      %get3A_54 = arith.constant 0 : index
      %get3A_55 = tpu.vector_load %arg10[%get3A_54] {strides = array<i32>} : memref<128xf32, #tpu.memory_space<vmem>>, vector<16xf32>,
      %div3A = arith.divf %get3A_55, %gather3A : vector<16xf32>
      %scan3A_56 = arith.constant 0 : i32
      %scan3A_57 = arith.constant 0 : i32
      %scan3A_58 = arith.constant 128 : i32
      %scan3A_59 = arith.addi %scan3A_57, %scan3A_58 : i32
      %scan3A_60 = arith.constant 1 : i32
      %scan3A_61 = scf.for %scan3A_176 = %scan3A_57 to %scan3A_59 step %scan3A_60 iter_args(%scan3A_177 = %scan3A_56) -> (i32)  : i32 {
        %broadcast_in_dim3A = vector.broadcast %scan3A_176 : i32 to vector<16xi32>
        %gather3A_178 = tpu.vector_load_idx %arg11[%add3A_52, %broadcast_in_dim3A] : memref<128x128xf32, #tpu.memory_space<vmem>>[vector<16xi32>, vector<16xi32>], vector<16xf32>,
        %mul3A_179 = arith.mulf %div3A, %gather3A_178 : vector<16xf32>
        tpu.vector_store_idx %arg11[%add3A_52, %broadcast_in_dim3A], %mul3A_179 : memref<128x128xf32, #tpu.memory_space<vmem>>[vector<16xi32>, vector<16xi32>], vector<16xf32>,
        %scan3A_180 = arith.constant 0 : i32
        scf.yield %scan3A_180 : i32
      }
      %scan3A_62 = arith.constant 128 : i32
      %add3A_63 = arith.constant 16 : i32
      %add3A_64 = vector.broadcast %add3A_63 : i32 to vector<16xi32>
      %add3A_65 = arith.addi %add3A_64, %iota3A : vector<16xi32>
      %get3A_66 = arith.constant 16 : index
      %get3A_67 = tpu.vector_load %arg8[%get3A_66] {strides = array<i32>} : memref<128xi32, #tpu.memory_space<vmem>>, vector<16xi32>,
      %gather3A_68 = tpu.vector_load_idx %arg12[%get3A_67] : memref<10240xf32, #tpu.memory_space<vmem>>[vector<16xi32>], vector<16xf32>,
      %get3A_69 = arith.constant 16 : index
      %get3A_70 = tpu.vector_load %arg10[%get3A_69] {strides = array<i32>} : memref<128xf32, #tpu.memory_space<vmem>>, vector<16xf32>,
      %div3A_71 = arith.divf %get3A_70, %gather3A_68 : vector<16xf32>
      %scan3A_72 = arith.constant 0 : i32
      %scan3A_73 = arith.constant 0 : i32
      %scan3A_74 = arith.constant 128 : i32
      %scan3A_75 = arith.addi %scan3A_73, %scan3A_74 : i32
      %scan3A_76 = arith.constant 1 : i32
      %scan3A_77 = scf.for %scan3A_176 = %scan3A_73 to %scan3A_75 step %scan3A_76 iter_args(%scan3A_177 = %scan3A_72) -> (i32)  : i32 {
        %broadcast_in_dim3A = vector.broadcast %scan3A_176 : i32 to vector<16xi32>
        %gather3A_178 = tpu.vector_load_idx %arg11[%add3A_65, %broadcast_in_dim3A] : memref<128x128xf32, #tpu.memory_space<vmem>>[vector<16xi32>, vector<16xi32>], vector<16xf32>,
        %mul3A_179 = arith.mulf %div3A_71, %gather3A_178 : vector<16xf32>
        tpu.vector_store_idx %arg11[%add3A_65, %broadcast_in_dim3A], %mul3A_179 : memref<128x128xf32, #tpu.memory_space<vmem>>[vector<16xi32>, vector<16xi32>], vector<16xf32>,
        %scan3A_180 = arith.constant 0 : i32
        scf.yield %scan3A_180 : i32
      }
      %scan3A_78 = arith.constant 128 : i32
      %add3A_79 = arith.constant 32 : i32
      %add3A_80 = vector.broadcast %add3A_79 : i32 to vector<16xi32>
      %add3A_81 = arith.addi %add3A_80, %iota3A : vector<16xi32>
      %get3A_82 = arith.constant 32 : index
      %get3A_83 = tpu.vector_load %arg8[%get3A_82] {strides = array<i32>} : memref<128xi32, #tpu.memory_space<vmem>>, vector<16xi32>,
      %gather3A_84 = tpu.vector_load_idx %arg12[%get3A_83] : memref<10240xf32, #tpu.memory_space<vmem>>[vector<16xi32>], vector<16xf32>,
      %get3A_85 = arith.constant 32 : index
      %get3A_86 = tpu.vector_load %arg10[%get3A_85] {strides = array<i32>} : memref<128xf32, #tpu.memory_space<vmem>>, vector<16xf32>,
      %div3A_87 = arith.divf %get3A_86, %gather3A_84 : vector<16xf32>
      %scan3A_88 = arith.constant 0 : i32
      %scan3A_89 = arith.constant 0 : i32
      %scan3A_90 = arith.constant 128 : i32
      %scan3A_91 = arith.addi %scan3A_89, %scan3A_90 : i32
      %scan3A_92 = arith.constant 1 : i32
      %scan3A_93 = scf.for %scan3A_176 = %scan3A_89 to %scan3A_91 step %scan3A_92 iter_args(%scan3A_177 = %scan3A_88) -> (i32)  : i32 {
        %broadcast_in_dim3A = vector.broadcast %scan3A_176 : i32 to vector<16xi32>
        %gather3A_178 = tpu.vector_load_idx %arg11[%add3A_81, %broadcast_in_dim3A] : memref<128x128xf32, #tpu.memory_space<vmem>>[vector<16xi32>, vector<16xi32>], vector<16xf32>,
        %mul3A_179 = arith.mulf %div3A_87, %gather3A_178 : vector<16xf32>
        tpu.vector_store_idx %arg11[%add3A_81, %broadcast_in_dim3A], %mul3A_179 : memref<128x128xf32, #tpu.memory_space<vmem>>[vector<16xi32>, vector<16xi32>], vector<16xf32>,
        %scan3A_180 = arith.constant 0 : i32
        scf.yield %scan3A_180 : i32
      }
      %scan3A_94 = arith.constant 128 : i32
      %add3A_95 = arith.constant 48 : i32
      %add3A_96 = vector.broadcast %add3A_95 : i32 to vector<16xi32>
      %add3A_97 = arith.addi %add3A_96, %iota3A : vector<16xi32>
      %get3A_98 = arith.constant 48 : index
      %get3A_99 = tpu.vector_load %arg8[%get3A_98] {strides = array<i32>} : memref<128xi32, #tpu.memory_space<vmem>>, vector<16xi32>,
      %gather3A_100 = tpu.vector_load_idx %arg12[%get3A_99] : memref<10240xf32, #tpu.memory_space<vmem>>[vector<16xi32>], vector<16xf32>,
      %get3A_101 = arith.constant 48 : index
      %get3A_102 = tpu.vector_load %arg10[%get3A_101] {strides = array<i32>} : memref<128xf32, #tpu.memory_space<vmem>>, vector<16xf32>,
      %div3A_103 = arith.divf %get3A_102, %gather3A_100 : vector<16xf32>
      %scan3A_104 = arith.constant 0 : i32
      %scan3A_105 = arith.constant 0 : i32
      %scan3A_106 = arith.constant 128 : i32
      %scan3A_107 = arith.addi %scan3A_105, %scan3A_106 : i32
      %scan3A_108 = arith.constant 1 : i32
      %scan3A_109 = scf.for %scan3A_176 = %scan3A_105 to %scan3A_107 step %scan3A_108 iter_args(%scan3A_177 = %scan3A_104) -> (i32)  : i32 {
        %broadcast_in_dim3A = vector.broadcast %scan3A_176 : i32 to vector<16xi32>
        %gather3A_178 = tpu.vector_load_idx %arg11[%add3A_97, %broadcast_in_dim3A] : memref<128x128xf32, #tpu.memory_space<vmem>>[vector<16xi32>, vector<16xi32>], vector<16xf32>,
        %mul3A_179 = arith.mulf %div3A_103, %gather3A_178 : vector<16xf32>
        tpu.vector_store_idx %arg11[%add3A_97, %broadcast_in_dim3A], %mul3A_179 : memref<128x128xf32, #tpu.memory_space<vmem>>[vector<16xi32>, vector<16xi32>], vector<16xf32>,
        %scan3A_180 = arith.constant 0 : i32
        scf.yield %scan3A_180 : i32
      }
      %scan3A_110 = arith.constant 128 : i32
      %add3A_111 = arith.constant 64 : i32
      %add3A_112 = vector.broadcast %add3A_111 : i32 to vector<16xi32>
      %add3A_113 = arith.addi %add3A_112, %iota3A : vector<16xi32>
      %get3A_114 = arith.constant 64 : index
      %get3A_115 = tpu.vector_load %arg8[%get3A_114] {strides = array<i32>} : memref<128xi32, #tpu.memory_space<vmem>>, vector<16xi32>,
      %gather3A_116 = tpu.vector_load_idx %arg12[%get3A_115] : memref<10240xf32, #tpu.memory_space<vmem>>[vector<16xi32>], vector<16xf32>,
      %get3A_117 = arith.constant 64 : index
      %get3A_118 = tpu.vector_load %arg10[%get3A_117] {strides = array<i32>} : memref<128xf32, #tpu.memory_space<vmem>>, vector<16xf32>,
      %div3A_119 = arith.divf %get3A_118, %gather3A_116 : vector<16xf32>
      %scan3A_120 = arith.constant 0 : i32
      %scan3A_121 = arith.constant 0 : i32
      %scan3A_122 = arith.constant 128 : i32
      %scan3A_123 = arith.addi %scan3A_121, %scan3A_122 : i32
      %scan3A_124 = arith.constant 1 : i32
      %scan3A_125 = scf.for %scan3A_176 = %scan3A_121 to %scan3A_123 step %scan3A_124 iter_args(%scan3A_177 = %scan3A_120) -> (i32)  : i32 {
        %broadcast_in_dim3A = vector.broadcast %scan3A_176 : i32 to vector<16xi32>
        %gather3A_178 = tpu.vector_load_idx %arg11[%add3A_113, %broadcast_in_dim3A] : memref<128x128xf32, #tpu.memory_space<vmem>>[vector<16xi32>, vector<16xi32>], vector<16xf32>,
        %mul3A_179 = arith.mulf %div3A_119, %gather3A_178 : vector<16xf32>
        tpu.vector_store_idx %arg11[%add3A_113, %broadcast_in_dim3A], %mul3A_179 : memref<128x128xf32, #tpu.memory_space<vmem>>[vector<16xi32>, vector<16xi32>], vector<16xf32>,
        %scan3A_180 = arith.constant 0 : i32
        scf.yield %scan3A_180 : i32
      }
      %scan3A_126 = arith.constant 128 : i32
      %add3A_127 = arith.constant 80 : i32
      %add3A_128 = vector.broadcast %add3A_127 : i32 to vector<16xi32>
      %add3A_129 = arith.addi %add3A_128, %iota3A : vector<16xi32>
      %get3A_130 = arith.constant 80 : index
      %get3A_131 = tpu.vector_load %arg8[%get3A_130] {strides = array<i32>} : memref<128xi32, #tpu.memory_space<vmem>>, vector<16xi32>,
      %gather3A_132 = tpu.vector_load_idx %arg12[%get3A_131] : memref<10240xf32, #tpu.memory_space<vmem>>[vector<16xi32>], vector<16xf32>,
      %get3A_133 = arith.constant 80 : index
      %get3A_134 = tpu.vector_load %arg10[%get3A_133] {strides = array<i32>} : memref<128xf32, #tpu.memory_space<vmem>>, vector<16xf32>,
      %div3A_135 = arith.divf %get3A_134, %gather3A_132 : vector<16xf32>
      %scan3A_136 = arith.constant 0 : i32
      %scan3A_137 = arith.constant 0 : i32
      %scan3A_138 = arith.constant 128 : i32
      %scan3A_139 = arith.addi %scan3A_137, %scan3A_138 : i32
      %scan3A_140 = arith.constant 1 : i32
      %scan3A_141 = scf.for %scan3A_176 = %scan3A_137 to %scan3A_139 step %scan3A_140 iter_args(%scan3A_177 = %scan3A_136) -> (i32)  : i32 {
        %broadcast_in_dim3A = vector.broadcast %scan3A_176 : i32 to vector<16xi32>
        %gather3A_178 = tpu.vector_load_idx %arg11[%add3A_129, %broadcast_in_dim3A] : memref<128x128xf32, #tpu.memory_space<vmem>>[vector<16xi32>, vector<16xi32>], vector<16xf32>,
        %mul3A_179 = arith.mulf %div3A_135, %gather3A_178 : vector<16xf32>
        tpu.vector_store_idx %arg11[%add3A_129, %broadcast_in_dim3A], %mul3A_179 : memref<128x128xf32, #tpu.memory_space<vmem>>[vector<16xi32>, vector<16xi32>], vector<16xf32>,
        %scan3A_180 = arith.constant 0 : i32
        scf.yield %scan3A_180 : i32
      }
      %scan3A_142 = arith.constant 128 : i32
      %add3A_143 = arith.constant 96 : i32
      %add3A_144 = vector.broadcast %add3A_143 : i32 to vector<16xi32>
      %add3A_145 = arith.addi %add3A_144, %iota3A : vector<16xi32>
      %get3A_146 = arith.constant 96 : index
      %get3A_147 = tpu.vector_load %arg8[%get3A_146] {strides = array<i32>} : memref<128xi32, #tpu.memory_space<vmem>>, vector<16xi32>,
      %gather3A_148 = tpu.vector_load_idx %arg12[%get3A_147] : memref<10240xf32, #tpu.memory_space<vmem>>[vector<16xi32>], vector<16xf32>,
      %get3A_149 = arith.constant 96 : index
      %get3A_150 = tpu.vector_load %arg10[%get3A_149] {strides = array<i32>} : memref<128xf32, #tpu.memory_space<vmem>>, vector<16xf32>,
      %div3A_151 = arith.divf %get3A_150, %gather3A_148 : vector<16xf32>
      %scan3A_152 = arith.constant 0 : i32
      %scan3A_153 = arith.constant 0 : i32
      %scan3A_154 = arith.constant 128 : i32
      %scan3A_155 = arith.addi %scan3A_153, %scan3A_154 : i32
      %scan3A_156 = arith.constant 1 : i32
      %scan3A_157 = scf.for %scan3A_176 = %scan3A_153 to %scan3A_155 step %scan3A_156 iter_args(%scan3A_177 = %scan3A_152) -> (i32)  : i32 {
        %broadcast_in_dim3A = vector.broadcast %scan3A_176 : i32 to vector<16xi32>
        %gather3A_178 = tpu.vector_load_idx %arg11[%add3A_145, %broadcast_in_dim3A] : memref<128x128xf32, #tpu.memory_space<vmem>>[vector<16xi32>, vector<16xi32>], vector<16xf32>,
        %mul3A_179 = arith.mulf %div3A_151, %gather3A_178 : vector<16xf32>
        tpu.vector_store_idx %arg11[%add3A_145, %broadcast_in_dim3A], %mul3A_179 : memref<128x128xf32, #tpu.memory_space<vmem>>[vector<16xi32>, vector<16xi32>], vector<16xf32>,
        %scan3A_180 = arith.constant 0 : i32
        scf.yield %scan3A_180 : i32
      }
      %scan3A_158 = arith.constant 128 : i32
      %add3A_159 = arith.constant 112 : i32
      %add3A_160 = vector.broadcast %add3A_159 : i32 to vector<16xi32>
      %add3A_161 = arith.addi %add3A_160, %iota3A : vector<16xi32>
      %get3A_162 = arith.constant 112 : index
      %get3A_163 = tpu.vector_load %arg8[%get3A_162] {strides = array<i32>} : memref<128xi32, #tpu.memory_space<vmem>>, vector<16xi32>,
      %gather3A_164 = tpu.vector_load_idx %arg12[%get3A_163] : memref<10240xf32, #tpu.memory_space<vmem>>[vector<16xi32>], vector<16xf32>,
      %get3A_165 = arith.constant 112 : index
      %get3A_166 = tpu.vector_load %arg10[%get3A_165] {strides = array<i32>} : memref<128xf32, #tpu.memory_space<vmem>>, vector<16xf32>,
      %div3A_167 = arith.divf %get3A_166, %gather3A_164 : vector<16xf32>
      %scan3A_168 = arith.constant 0 : i32
      %scan3A_169 = arith.constant 0 : i32
      %scan3A_170 = arith.constant 128 : i32
      %scan3A_171 = arith.addi %scan3A_169, %scan3A_170 : i32
      %scan3A_172 = arith.constant 1 : i32
      %scan3A_173 = scf.for %scan3A_176 = %scan3A_169 to %scan3A_171 step %scan3A_172 iter_args(%scan3A_177 = %scan3A_168) -> (i32)  : i32 {
        %broadcast_in_dim3A = vector.broadcast %scan3A_176 : i32 to vector<16xi32>
        %gather3A_178 = tpu.vector_load_idx %arg11[%add3A_161, %broadcast_in_dim3A] : memref<128x128xf32, #tpu.memory_space<vmem>>[vector<16xi32>, vector<16xi32>], vector<16xf32>,
        %mul3A_179 = arith.mulf %div3A_167, %gather3A_178 : vector<16xf32>
        tpu.vector_store_idx %arg11[%add3A_161, %broadcast_in_dim3A], %mul3A_179 : memref<128x128xf32, #tpu.memory_space<vmem>>[vector<16xi32>, vector<16xi32>], vector<16xf32>,
        %scan3A_180 = arith.constant 0 : i32
        scf.yield %scan3A_180 : i32
      }
      %scan3A_174 = arith.constant 128 : i32
      "tpu.region"() ({
        %run_scoped3A_176 = tpu.sem_alloc : memref<!tpu.dma_semaphore, #tpu.memory_space<semaphore_mem>>
        %dma_start3A_177 = arith.constant 0 : i32
        %dma_start3A_178 = arith.constant 0 : i32
        %dma_start3A_179 = tpu.memref_slice %arg14[%dma_start3A_177, %dma_start3A_178] : memref<10240x128xf32, #tpu.memory_space<vmem_shared>> -> memref<10240x128xf32, #tpu.memory_space<vmem_shared>>
        tpu.enqueue_indirect_dma source(%arg11 : memref<128x128xf32, #tpu.memory_space<vmem>>) target(%dma_start3A_179 : memref<10240x128xf32, #tpu.memory_space<vmem_shared>>) offsets(%arg8 : memref<128xi32, #tpu.memory_space<vmem>>) semaphore(%run_scoped3A_176 : memref<!tpu.dma_semaphore, #tpu.memory_space<semaphore_mem>>) {add = true}
        %dma_wait3A_180 = arith.constant 0 : i32
        %dma_wait3A_181 = arith.constant 0 : i32
        %dma_wait3A_182 = tpu.memref_slice %arg14[%dma_wait3A_180, %dma_wait3A_181] : memref<10240x128xf32, #tpu.memory_space<vmem_shared>> -> memref<10240x128xf32, #tpu.memory_space<vmem_shared>>
        tpu.wait_indirect_dma semaphore(%run_scoped3A_176 : memref<!tpu.dma_semaphore, #tpu.memory_space<semaphore_mem>>) src(%arg11 : memref<128x128xf32, #tpu.memory_space<vmem>>) dst(%dma_wait3A_182 : memref<10240x128xf32, #tpu.memory_space<vmem_shared>>)
        tpu.yield
      }) : () -> ()
      %while3A_175 = arith.constant 0 : i32
      scf.yield %while3A_175 : i32
    }
    %barrier3A_34 = arith.constant 0 : index
    tpu.barrier barrier_id(%barrier3A_34)
    %mul3A_35 = arith.constant 625 : i32
    %mul3A_36 = arith.muli %arg1, %mul3A_35 : i32
    %mul3A_37 = arith.constant 625 : i32
    %mul3A_38 = arith.muli %arg1, %mul3A_37 : i32
    "tpu.region"() ({
      %run_scoped3A_39 = tpu.sem_alloc : memref<!tpu.dma_semaphore, #tpu.memory_space<semaphore_mem>>
      %dma_start3A = arith.constant 0 : i32
      %dma_start3A_40 = tpu.memref_slice %arg7[%arg0, %mul3A_38, %dma_start3A] : memref<2x10000x128xf32, #tpu.memory_space<hbm>> -> memref<1x625x128xf32, #tpu.memory_space<hbm>>
      %dma_start3A_41 = tpu.memref_squeeze %dma_start3A_40 : memref<1x625x128xf32, #tpu.memory_space<hbm>> -> memref<625x128xf32, #tpu.memory_space<hbm>>
      %dma_start3A_42 = arith.constant 0 : i32
      %dma_start3A_43 = tpu.memref_slice %arg14[%mul3A_36, %dma_start3A_42] : memref<10240x128xf32, #tpu.memory_space<vmem_shared>> -> memref<625x128xf32, #tpu.memory_space<vmem_shared>>
      tpu.enqueue_dma source(%dma_start3A_43 : memref<625x128xf32, #tpu.memory_space<vmem_shared>>) target(%dma_start3A_41 : memref<625x128xf32, #tpu.memory_space<hbm>>) target_semaphore(%run_scoped3A_39 : memref<!tpu.dma_semaphore, #tpu.memory_space<semaphore_mem>>)
      %dma_wait3A = arith.constant 0 : i32
      %dma_wait3A_44 = tpu.memref_slice %arg7[%arg0, %mul3A_38, %dma_wait3A] : memref<2x10000x128xf32, #tpu.memory_space<hbm>> -> memref<1x625x128xf32, #tpu.memory_space<hbm>>
      %dma_wait3A_45 = tpu.memref_squeeze %dma_wait3A_44 : memref<1x625x128xf32, #tpu.memory_space<hbm>> -> memref<625x128xf32, #tpu.memory_space<hbm>>
      %dma_wait3A_46 = arith.constant 0 : i32
      %dma_wait3A_47 = tpu.memref_slice %arg14[%mul3A_36, %dma_wait3A_46] : memref<10240x128xf32, #tpu.memory_space<vmem_shared>> -> memref<625x128xf32, #tpu.memory_space<vmem_shared>>
      tpu.wait_dma2 semaphore(%run_scoped3A_39 : memref<!tpu.dma_semaphore, #tpu.memory_space<semaphore_mem>>) src(%dma_wait3A_47 : memref<625x128xf32, #tpu.memory_space<vmem_shared>>) dst(%dma_wait3A_45 : memref<625x128xf32, #tpu.memory_space<hbm>>)
      tpu.yield
    }) : () -> ()
    return
  }
}

#map = affine_map<(d0, d1) -> (0, 0)>
#map1 = affine_map<(d0, d1) -> (0)>
module attributes {stable_mosaic.version = 14 : i64} {
  func.func @_edge_pass1(%arg0: i32, %arg1: i32, %arg2: memref<10000x128xf32, #tpu.memory_space<hbm>>, %arg3: memref<10000x128xf32, #tpu.memory_space<hbm>>, %arg4: memref<320000xi32, #tpu.memory_space<hbm>>, %arg5: memref<320000xi32, #tpu.memory_space<hbm>>, %arg6: memref<320000xf32, #tpu.memory_space<hbm>>, %arg7: memref<2x10240xf32, #tpu.memory_space<hbm>>, %arg8: memref<128xi32, #tpu.memory_space<vmem>>, %arg9: memref<128xi32, #tpu.memory_space<vmem>>, %arg10: memref<128x128xf32, #tpu.memory_space<vmem>>, %arg11: memref<128x128xf32, #tpu.memory_space<vmem>>, %arg12: memref<128xf32, #tpu.memory_space<vmem>>, %arg13: memref<640xf32, #tpu.memory_space<vmem>>, %arg14: memref<10240xf32, #tpu.memory_space<vmem_shared>>, %arg15: memref<!tpu.dma_semaphore, #tpu.memory_space<semaphore_mem>>) attributes {dimension_semantics = [#tpu.dimension_semantics<core_parallel>, #tpu.dimension_semantics<subcore_parallel>], iteration_bounds = array<i64: 2, 16>, scalar_prefetch = 0 : i64, scratch_operands = 8 : i64, tpu.core_type = #tpu.core_type<sc_vector_subcore>, window_params = [{transform_indices = #map}, {transform_indices = #map}, {transform_indices = #map1}, {transform_indices = #map1}, {transform_indices = #map1}, {transform_indices = #map}]} {
    %mul3A = arith.constant 2 : i32
    %mul3A_0 = arith.muli %arg1, %mul3A : i32
    %add3A = arith.addi %mul3A_0, %arg0 : i32
    %iota3A = tpu.iota {dimensions = array<i32: 0>} : vector<16xi32>
    %scan3A = arith.constant 0 : i32
    %scan3A_1 = arith.constant 0 : i32
    %scan3A_2 = arith.constant 40 : i32
    %scan3A_3 = arith.addi %scan3A_1, %scan3A_2 : i32
    %scan3A_4 = arith.constant 1 : i32
    %scan3A_5 = scf.for %scan3A_27 = %scan3A_1 to %scan3A_3 step %scan3A_4 iter_args(%scan3A_28 = %scan3A) -> (i32)  : i32 {
      %broadcast_in_dim3A = arith.constant 0.000000e+00 : f32
      %broadcast_in_dim3A_29 = vector.broadcast %broadcast_in_dim3A : f32 to vector<16xf32>
      %mul3A_30 = arith.constant 16 : i32
      %mul3A_31 = arith.muli %scan3A_27, %mul3A_30 : i32
      %swap3A = arith.index_cast %mul3A_31 : i32 to index
      %swap3A_32 = tpu.vector_load %arg13[%swap3A] {strides = array<i32>} : memref<640xf32, #tpu.memory_space<vmem>>, vector<16xf32>,
      tpu.vector_store %arg13[%swap3A], %broadcast_in_dim3A_29 {strides = array<i32>} : memref<640xf32, #tpu.memory_space<vmem>>, vector<16xf32>,
      %scan3A_33 = arith.constant 0 : i32
      scf.yield %scan3A_33 : i32
    }
    %scan3A_6 = arith.constant 40 : i32
    %mul3A_7 = arith.constant 640 : i32
    %mul3A_8 = arith.muli %arg1, %mul3A_7 : i32
    "tpu.region"() ({
      %run_scoped3A = tpu.sem_alloc : memref<!tpu.dma_semaphore, #tpu.memory_space<semaphore_mem>>
      %dma_start3A = tpu.memref_slice %arg14[%mul3A_8] : memref<10240xf32, #tpu.memory_space<vmem_shared>> -> memref<640xf32, #tpu.memory_space<vmem_shared>>
      %dma_start3A_27 = tpu.memref_slice %arg14[%mul3A_8] : memref<10240xf32, #tpu.memory_space<vmem_shared>> -> memref<640xf32, #tpu.memory_space<vmem_shared>>
      tpu.enqueue_dma source(%arg13 : memref<640xf32, #tpu.memory_space<vmem>>) target(%dma_start3A_27 : memref<640xf32, #tpu.memory_space<vmem_shared>>) target_semaphore(%run_scoped3A : memref<!tpu.dma_semaphore, #tpu.memory_space<semaphore_mem>>)
      %dma_wait3A = tpu.memref_slice %arg14[%mul3A_8] : memref<10240xf32, #tpu.memory_space<vmem_shared>> -> memref<640xf32, #tpu.memory_space<vmem_shared>>
      %dma_wait3A_28 = tpu.memref_slice %arg14[%mul3A_8] : memref<10240xf32, #tpu.memory_space<vmem_shared>> -> memref<640xf32, #tpu.memory_space<vmem_shared>>
      tpu.wait_dma2 semaphore(%run_scoped3A : memref<!tpu.dma_semaphore, #tpu.memory_space<semaphore_mem>>) src(%arg13 : memref<640xf32, #tpu.memory_space<vmem>>) dst(%dma_wait3A_28 : memref<640xf32, #tpu.memory_space<vmem_shared>>)
      tpu.yield
    }) : () -> ()
    %barrier3A = arith.constant 0 : index
    tpu.barrier barrier_id(%barrier3A)
    %lt3A = arith.constant 4 : i32
    %lt3A_9 = arith.cmpi slt, %add3A, %lt3A : i32
    %jit3A = arith.constant 79 : i32
    %jit3A_10 = arith.constant 78 : i32
    %select_n3A = arith.select %lt3A_9, %jit3A, %jit3A_10 : i32
    %while3A = arith.constant 0 : i32
    %while3A_11 = arith.constant 0 : i32
    %while3A_12 = arith.subi %select_n3A, %while3A : i32
    %while3A_13 = arith.addi %while3A, %while3A_12 : i32
    %while3A_14 = arith.constant 1 : i32
    %while3A_15 = arith.divsi %while3A_12, %while3A_14 : i32
    %while3A_16 = arith.muli %while3A_15, %while3A_14 : i32
    %while3A_17 = arith.addi %while3A, %while3A_16 : i32
    %while3A_18 = arith.constant 1 : i32
    %while3A_19 = scf.for %while3A_27 = %while3A to %while3A_17 step %while3A_18 iter_args(%while3A_28 = %while3A_11) -> (i32)  : i32 {
      %mul3A_29 = arith.constant 32 : i32
      %mul3A_30 = arith.muli %while3A_27, %mul3A_29 : i32
      %add3A_31 = arith.addi %add3A, %mul3A_30 : i32
      %mul3A_32 = arith.constant 128 : i32
      %mul3A_33 = arith.muli %add3A_31, %mul3A_32 : i32
      "tpu.region"() ({
        %run_scoped3A = tpu.sem_alloc : memref<!tpu.dma_semaphore, #tpu.memory_space<semaphore_mem>>
        %dma_start3A_178 = tpu.memref_slice %arg5[%mul3A_33] : memref<320000xi32, #tpu.memory_space<hbm>> -> memref<128xi32, #tpu.memory_space<hbm>>
        %dma_start3A_179 = tpu.memref_slice %arg5[%mul3A_33] : memref<320000xi32, #tpu.memory_space<hbm>> -> memref<128xi32, #tpu.memory_space<hbm>>
        tpu.enqueue_dma source(%dma_start3A_179 : memref<128xi32, #tpu.memory_space<hbm>>) target(%arg8 : memref<128xi32, #tpu.memory_space<vmem>>) target_semaphore(%run_scoped3A : memref<!tpu.dma_semaphore, #tpu.memory_space<semaphore_mem>>)
        %dma_wait3A_180 = tpu.memref_slice %arg5[%mul3A_33] : memref<320000xi32, #tpu.memory_space<hbm>> -> memref<128xi32, #tpu.memory_space<hbm>>
        %dma_wait3A_181 = tpu.memref_slice %arg5[%mul3A_33] : memref<320000xi32, #tpu.memory_space<hbm>> -> memref<128xi32, #tpu.memory_space<hbm>>
        tpu.wait_dma2 semaphore(%run_scoped3A : memref<!tpu.dma_semaphore, #tpu.memory_space<semaphore_mem>>) src(%dma_wait3A_181 : memref<128xi32, #tpu.memory_space<hbm>>) dst(%arg8 : memref<128xi32, #tpu.memory_space<vmem>>)
        tpu.yield
      }) : () -> ()
      "tpu.region"() ({
        %run_scoped3A = tpu.sem_alloc : memref<!tpu.dma_semaphore, #tpu.memory_space<semaphore_mem>>
        %dma_start3A_178 = tpu.memref_slice %arg4[%mul3A_33] : memref<320000xi32, #tpu.memory_space<hbm>> -> memref<128xi32, #tpu.memory_space<hbm>>
        %dma_start3A_179 = tpu.memref_slice %arg4[%mul3A_33] : memref<320000xi32, #tpu.memory_space<hbm>> -> memref<128xi32, #tpu.memory_space<hbm>>
        tpu.enqueue_dma source(%dma_start3A_179 : memref<128xi32, #tpu.memory_space<hbm>>) target(%arg9 : memref<128xi32, #tpu.memory_space<vmem>>) target_semaphore(%run_scoped3A : memref<!tpu.dma_semaphore, #tpu.memory_space<semaphore_mem>>)
        %dma_wait3A_180 = tpu.memref_slice %arg4[%mul3A_33] : memref<320000xi32, #tpu.memory_space<hbm>> -> memref<128xi32, #tpu.memory_space<hbm>>
        %dma_wait3A_181 = tpu.memref_slice %arg4[%mul3A_33] : memref<320000xi32, #tpu.memory_space<hbm>> -> memref<128xi32, #tpu.memory_space<hbm>>
        tpu.wait_dma2 semaphore(%run_scoped3A : memref<!tpu.dma_semaphore, #tpu.memory_space<semaphore_mem>>) src(%dma_wait3A_181 : memref<128xi32, #tpu.memory_space<hbm>>) dst(%arg9 : memref<128xi32, #tpu.memory_space<vmem>>)
        tpu.yield
      }) : () -> ()
      %dma_start3A = arith.constant 0 : i32
      %dma_start3A_34 = arith.constant 0 : i32
      %dma_start3A_35 = tpu.memref_slice %arg2[%dma_start3A, %dma_start3A_34] : memref<10000x128xf32, #tpu.memory_space<hbm>> -> memref<10000x128xf32, #tpu.memory_space<hbm>>
      tpu.enqueue_indirect_dma source(%dma_start3A_35 : memref<10000x128xf32, #tpu.memory_space<hbm>>) target(%arg10 : memref<128x128xf32, #tpu.memory_space<vmem>>) offsets(%arg8 : memref<128xi32, #tpu.memory_space<vmem>>) semaphore(%arg15 : memref<!tpu.dma_semaphore, #tpu.memory_space<semaphore_mem>>)
      %dma_wait3A = arith.constant 0 : i32
      %dma_wait3A_36 = arith.constant 0 : i32
      %dma_wait3A_37 = tpu.memref_slice %arg2[%dma_wait3A, %dma_wait3A_36] : memref<10000x128xf32, #tpu.memory_space<hbm>> -> memref<10000x128xf32, #tpu.memory_space<hbm>>
      tpu.wait_indirect_dma semaphore(%arg15 : memref<!tpu.dma_semaphore, #tpu.memory_space<semaphore_mem>>) src(%dma_wait3A_37 : memref<10000x128xf32, #tpu.memory_space<hbm>>) dst(%arg10 : memref<128x128xf32, #tpu.memory_space<vmem>>)
      %dma_start3A_38 = arith.constant 0 : i32
      %dma_start3A_39 = arith.constant 0 : i32
      %dma_start3A_40 = tpu.memref_slice %arg3[%dma_start3A_38, %dma_start3A_39] : memref<10000x128xf32, #tpu.memory_space<hbm>> -> memref<10000x128xf32, #tpu.memory_space<hbm>>
      tpu.enqueue_indirect_dma source(%dma_start3A_40 : memref<10000x128xf32, #tpu.memory_space<hbm>>) target(%arg11 : memref<128x128xf32, #tpu.memory_space<vmem>>) offsets(%arg9 : memref<128xi32, #tpu.memory_space<vmem>>) semaphore(%arg15 : memref<!tpu.dma_semaphore, #tpu.memory_space<semaphore_mem>>)
      %dma_wait3A_41 = arith.constant 0 : i32
      %dma_wait3A_42 = arith.constant 0 : i32
      %dma_wait3A_43 = tpu.memref_slice %arg3[%dma_wait3A_41, %dma_wait3A_42] : memref<10000x128xf32, #tpu.memory_space<hbm>> -> memref<10000x128xf32, #tpu.memory_space<hbm>>
      tpu.wait_indirect_dma semaphore(%arg15 : memref<!tpu.dma_semaphore, #tpu.memory_space<semaphore_mem>>) src(%dma_wait3A_43 : memref<10000x128xf32, #tpu.memory_space<hbm>>) dst(%arg11 : memref<128x128xf32, #tpu.memory_space<vmem>>)
      %add3A_44 = arith.constant 0 : i32
      %add3A_45 = vector.broadcast %add3A_44 : i32 to vector<16xi32>
      %add3A_46 = arith.addi %add3A_45, %iota3A : vector<16xi32>
      %broadcast_in_dim3A = arith.constant 0.000000e+00 : f32
      %broadcast_in_dim3A_47 = vector.broadcast %broadcast_in_dim3A : f32 to vector<16xf32>
      %scan3A_48 = arith.constant 0 : i32
      %scan3A_49 = arith.constant 128 : i32
      %scan3A_50 = arith.addi %scan3A_48, %scan3A_49 : i32
      %scan3A_51 = arith.constant 1 : i32
      %scan3A_52 = scf.for %scan3A_178 = %scan3A_48 to %scan3A_50 step %scan3A_51 iter_args(%scan3A_179 = %broadcast_in_dim3A_47) -> (vector<16xf32>)  : i32 {
        %broadcast_in_dim3A_180 = vector.broadcast %scan3A_178 : i32 to vector<16xi32>
        %gather3A = tpu.vector_load_idx %arg10[%add3A_46, %broadcast_in_dim3A_180] : memref<128x128xf32, #tpu.memory_space<vmem>>[vector<16xi32>, vector<16xi32>], vector<16xf32>,
        %gather3A_181 = tpu.vector_load_idx %arg11[%add3A_46, %broadcast_in_dim3A_180] : memref<128x128xf32, #tpu.memory_space<vmem>>[vector<16xi32>, vector<16xi32>], vector<16xf32>,
        %mul3A_182 = arith.mulf %gather3A, %gather3A_181 : vector<16xf32>
        %add3A_183 = arith.addf %scan3A_179, %mul3A_182 : vector<16xf32>
        scf.yield %add3A_183 : vector<16xf32>
      }
      %scan3A_53 = arith.constant 128 : i32
      %mul3A_54 = arith.constant 0.0883883461 : f32
      %mul3A_55 = vector.broadcast %mul3A_54 : f32 to vector<16xf32>
      %mul3A_56 = arith.mulf %scan3A_52, %mul3A_55 : vector<16xf32>
      %exp3A = math.exp %mul3A_56 : vector<16xf32>
      %swap3A = arith.constant 0 : index
      %swap3A_57 = tpu.vector_load %arg12[%swap3A] {strides = array<i32>} : memref<128xf32, #tpu.memory_space<vmem>>, vector<16xf32>,
      tpu.vector_store %arg12[%swap3A], %exp3A {strides = array<i32>} : memref<128xf32, #tpu.memory_space<vmem>>, vector<16xf32>,
      %add3A_58 = arith.constant 16 : i32
      %add3A_59 = vector.broadcast %add3A_58 : i32 to vector<16xi32>
      %add3A_60 = arith.addi %add3A_59, %iota3A : vector<16xi32>
      %broadcast_in_dim3A_61 = arith.constant 0.000000e+00 : f32
      %broadcast_in_dim3A_62 = vector.broadcast %broadcast_in_dim3A_61 : f32 to vector<16xf32>
      %scan3A_63 = arith.constant 0 : i32
      %scan3A_64 = arith.constant 128 : i32
      %scan3A_65 = arith.addi %scan3A_63, %scan3A_64 : i32
      %scan3A_66 = arith.constant 1 : i32
      %scan3A_67 = scf.for %scan3A_178 = %scan3A_63 to %scan3A_65 step %scan3A_66 iter_args(%scan3A_179 = %broadcast_in_dim3A_62) -> (vector<16xf32>)  : i32 {
        %broadcast_in_dim3A_180 = vector.broadcast %scan3A_178 : i32 to vector<16xi32>
        %gather3A = tpu.vector_load_idx %arg10[%add3A_60, %broadcast_in_dim3A_180] : memref<128x128xf32, #tpu.memory_space<vmem>>[vector<16xi32>, vector<16xi32>], vector<16xf32>,
        %gather3A_181 = tpu.vector_load_idx %arg11[%add3A_60, %broadcast_in_dim3A_180] : memref<128x128xf32, #tpu.memory_space<vmem>>[vector<16xi32>, vector<16xi32>], vector<16xf32>,
        %mul3A_182 = arith.mulf %gather3A, %gather3A_181 : vector<16xf32>
        %add3A_183 = arith.addf %scan3A_179, %mul3A_182 : vector<16xf32>
        scf.yield %add3A_183 : vector<16xf32>
      }
      %scan3A_68 = arith.constant 128 : i32
      %mul3A_69 = arith.constant 0.0883883461 : f32
      %mul3A_70 = vector.broadcast %mul3A_69 : f32 to vector<16xf32>
      %mul3A_71 = arith.mulf %scan3A_67, %mul3A_70 : vector<16xf32>
      %exp3A_72 = math.exp %mul3A_71 : vector<16xf32>
      %swap3A_73 = arith.constant 16 : index
      %swap3A_74 = tpu.vector_load %arg12[%swap3A_73] {strides = array<i32>} : memref<128xf32, #tpu.memory_space<vmem>>, vector<16xf32>,
      tpu.vector_store %arg12[%swap3A_73], %exp3A_72 {strides = array<i32>} : memref<128xf32, #tpu.memory_space<vmem>>, vector<16xf32>,
      %add3A_75 = arith.constant 32 : i32
      %add3A_76 = vector.broadcast %add3A_75 : i32 to vector<16xi32>
      %add3A_77 = arith.addi %add3A_76, %iota3A : vector<16xi32>
      %broadcast_in_dim3A_78 = arith.constant 0.000000e+00 : f32
      %broadcast_in_dim3A_79 = vector.broadcast %broadcast_in_dim3A_78 : f32 to vector<16xf32>
      %scan3A_80 = arith.constant 0 : i32
      %scan3A_81 = arith.constant 128 : i32
      %scan3A_82 = arith.addi %scan3A_80, %scan3A_81 : i32
      %scan3A_83 = arith.constant 1 : i32
      %scan3A_84 = scf.for %scan3A_178 = %scan3A_80 to %scan3A_82 step %scan3A_83 iter_args(%scan3A_179 = %broadcast_in_dim3A_79) -> (vector<16xf32>)  : i32 {
        %broadcast_in_dim3A_180 = vector.broadcast %scan3A_178 : i32 to vector<16xi32>
        %gather3A = tpu.vector_load_idx %arg10[%add3A_77, %broadcast_in_dim3A_180] : memref<128x128xf32, #tpu.memory_space<vmem>>[vector<16xi32>, vector<16xi32>], vector<16xf32>,
        %gather3A_181 = tpu.vector_load_idx %arg11[%add3A_77, %broadcast_in_dim3A_180] : memref<128x128xf32, #tpu.memory_space<vmem>>[vector<16xi32>, vector<16xi32>], vector<16xf32>,
        %mul3A_182 = arith.mulf %gather3A, %gather3A_181 : vector<16xf32>
        %add3A_183 = arith.addf %scan3A_179, %mul3A_182 : vector<16xf32>
        scf.yield %add3A_183 : vector<16xf32>
      }
      %scan3A_85 = arith.constant 128 : i32
      %mul3A_86 = arith.constant 0.0883883461 : f32
      %mul3A_87 = vector.broadcast %mul3A_86 : f32 to vector<16xf32>
      %mul3A_88 = arith.mulf %scan3A_84, %mul3A_87 : vector<16xf32>
      %exp3A_89 = math.exp %mul3A_88 : vector<16xf32>
      %swap3A_90 = arith.constant 32 : index
      %swap3A_91 = tpu.vector_load %arg12[%swap3A_90] {strides = array<i32>} : memref<128xf32, #tpu.memory_space<vmem>>, vector<16xf32>,
      tpu.vector_store %arg12[%swap3A_90], %exp3A_89 {strides = array<i32>} : memref<128xf32, #tpu.memory_space<vmem>>, vector<16xf32>,
      %add3A_92 = arith.constant 48 : i32
      %add3A_93 = vector.broadcast %add3A_92 : i32 to vector<16xi32>
      %add3A_94 = arith.addi %add3A_93, %iota3A : vector<16xi32>
      %broadcast_in_dim3A_95 = arith.constant 0.000000e+00 : f32
      %broadcast_in_dim3A_96 = vector.broadcast %broadcast_in_dim3A_95 : f32 to vector<16xf32>
      %scan3A_97 = arith.constant 0 : i32
      %scan3A_98 = arith.constant 128 : i32
      %scan3A_99 = arith.addi %scan3A_97, %scan3A_98 : i32
      %scan3A_100 = arith.constant 1 : i32
      %scan3A_101 = scf.for %scan3A_178 = %scan3A_97 to %scan3A_99 step %scan3A_100 iter_args(%scan3A_179 = %broadcast_in_dim3A_96) -> (vector<16xf32>)  : i32 {
        %broadcast_in_dim3A_180 = vector.broadcast %scan3A_178 : i32 to vector<16xi32>
        %gather3A = tpu.vector_load_idx %arg10[%add3A_94, %broadcast_in_dim3A_180] : memref<128x128xf32, #tpu.memory_space<vmem>>[vector<16xi32>, vector<16xi32>], vector<16xf32>,
        %gather3A_181 = tpu.vector_load_idx %arg11[%add3A_94, %broadcast_in_dim3A_180] : memref<128x128xf32, #tpu.memory_space<vmem>>[vector<16xi32>, vector<16xi32>], vector<16xf32>,
        %mul3A_182 = arith.mulf %gather3A, %gather3A_181 : vector<16xf32>
        %add3A_183 = arith.addf %scan3A_179, %mul3A_182 : vector<16xf32>
        scf.yield %add3A_183 : vector<16xf32>
      }
      %scan3A_102 = arith.constant 128 : i32
      %mul3A_103 = arith.constant 0.0883883461 : f32
      %mul3A_104 = vector.broadcast %mul3A_103 : f32 to vector<16xf32>
      %mul3A_105 = arith.mulf %scan3A_101, %mul3A_104 : vector<16xf32>
      %exp3A_106 = math.exp %mul3A_105 : vector<16xf32>
      %swap3A_107 = arith.constant 48 : index
      %swap3A_108 = tpu.vector_load %arg12[%swap3A_107] {strides = array<i32>} : memref<128xf32, #tpu.memory_space<vmem>>, vector<16xf32>,
      tpu.vector_store %arg12[%swap3A_107], %exp3A_106 {strides = array<i32>} : memref<128xf32, #tpu.memory_space<vmem>>, vector<16xf32>,
      %add3A_109 = arith.constant 64 : i32
      %add3A_110 = vector.broadcast %add3A_109 : i32 to vector<16xi32>
      %add3A_111 = arith.addi %add3A_110, %iota3A : vector<16xi32>
      %broadcast_in_dim3A_112 = arith.constant 0.000000e+00 : f32
      %broadcast_in_dim3A_113 = vector.broadcast %broadcast_in_dim3A_112 : f32 to vector<16xf32>
      %scan3A_114 = arith.constant 0 : i32
      %scan3A_115 = arith.constant 128 : i32
      %scan3A_116 = arith.addi %scan3A_114, %scan3A_115 : i32
      %scan3A_117 = arith.constant 1 : i32
      %scan3A_118 = scf.for %scan3A_178 = %scan3A_114 to %scan3A_116 step %scan3A_117 iter_args(%scan3A_179 = %broadcast_in_dim3A_113) -> (vector<16xf32>)  : i32 {
        %broadcast_in_dim3A_180 = vector.broadcast %scan3A_178 : i32 to vector<16xi32>
        %gather3A = tpu.vector_load_idx %arg10[%add3A_111, %broadcast_in_dim3A_180] : memref<128x128xf32, #tpu.memory_space<vmem>>[vector<16xi32>, vector<16xi32>], vector<16xf32>,
        %gather3A_181 = tpu.vector_load_idx %arg11[%add3A_111, %broadcast_in_dim3A_180] : memref<128x128xf32, #tpu.memory_space<vmem>>[vector<16xi32>, vector<16xi32>], vector<16xf32>,
        %mul3A_182 = arith.mulf %gather3A, %gather3A_181 : vector<16xf32>
        %add3A_183 = arith.addf %scan3A_179, %mul3A_182 : vector<16xf32>
        scf.yield %add3A_183 : vector<16xf32>
      }
      %scan3A_119 = arith.constant 128 : i32
      %mul3A_120 = arith.constant 0.0883883461 : f32
      %mul3A_121 = vector.broadcast %mul3A_120 : f32 to vector<16xf32>
      %mul3A_122 = arith.mulf %scan3A_118, %mul3A_121 : vector<16xf32>
      %exp3A_123 = math.exp %mul3A_122 : vector<16xf32>
      %swap3A_124 = arith.constant 64 : index
      %swap3A_125 = tpu.vector_load %arg12[%swap3A_124] {strides = array<i32>} : memref<128xf32, #tpu.memory_space<vmem>>, vector<16xf32>,
      tpu.vector_store %arg12[%swap3A_124], %exp3A_123 {strides = array<i32>} : memref<128xf32, #tpu.memory_space<vmem>>, vector<16xf32>,
      %add3A_126 = arith.constant 80 : i32
      %add3A_127 = vector.broadcast %add3A_126 : i32 to vector<16xi32>
      %add3A_128 = arith.addi %add3A_127, %iota3A : vector<16xi32>
      %broadcast_in_dim3A_129 = arith.constant 0.000000e+00 : f32
      %broadcast_in_dim3A_130 = vector.broadcast %broadcast_in_dim3A_129 : f32 to vector<16xf32>
      %scan3A_131 = arith.constant 0 : i32
      %scan3A_132 = arith.constant 128 : i32
      %scan3A_133 = arith.addi %scan3A_131, %scan3A_132 : i32
      %scan3A_134 = arith.constant 1 : i32
      %scan3A_135 = scf.for %scan3A_178 = %scan3A_131 to %scan3A_133 step %scan3A_134 iter_args(%scan3A_179 = %broadcast_in_dim3A_130) -> (vector<16xf32>)  : i32 {
        %broadcast_in_dim3A_180 = vector.broadcast %scan3A_178 : i32 to vector<16xi32>
        %gather3A = tpu.vector_load_idx %arg10[%add3A_128, %broadcast_in_dim3A_180] : memref<128x128xf32, #tpu.memory_space<vmem>>[vector<16xi32>, vector<16xi32>], vector<16xf32>,
        %gather3A_181 = tpu.vector_load_idx %arg11[%add3A_128, %broadcast_in_dim3A_180] : memref<128x128xf32, #tpu.memory_space<vmem>>[vector<16xi32>, vector<16xi32>], vector<16xf32>,
        %mul3A_182 = arith.mulf %gather3A, %gather3A_181 : vector<16xf32>
        %add3A_183 = arith.addf %scan3A_179, %mul3A_182 : vector<16xf32>
        scf.yield %add3A_183 : vector<16xf32>
      }
      %scan3A_136 = arith.constant 128 : i32
      %mul3A_137 = arith.constant 0.0883883461 : f32
      %mul3A_138 = vector.broadcast %mul3A_137 : f32 to vector<16xf32>
      %mul3A_139 = arith.mulf %scan3A_135, %mul3A_138 : vector<16xf32>
      %exp3A_140 = math.exp %mul3A_139 : vector<16xf32>
      %swap3A_141 = arith.constant 80 : index
      %swap3A_142 = tpu.vector_load %arg12[%swap3A_141] {strides = array<i32>} : memref<128xf32, #tpu.memory_space<vmem>>, vector<16xf32>,
      tpu.vector_store %arg12[%swap3A_141], %exp3A_140 {strides = array<i32>} : memref<128xf32, #tpu.memory_space<vmem>>, vector<16xf32>,
      %add3A_143 = arith.constant 96 : i32
      %add3A_144 = vector.broadcast %add3A_143 : i32 to vector<16xi32>
      %add3A_145 = arith.addi %add3A_144, %iota3A : vector<16xi32>
      %broadcast_in_dim3A_146 = arith.constant 0.000000e+00 : f32
      %broadcast_in_dim3A_147 = vector.broadcast %broadcast_in_dim3A_146 : f32 to vector<16xf32>
      %scan3A_148 = arith.constant 0 : i32
      %scan3A_149 = arith.constant 128 : i32
      %scan3A_150 = arith.addi %scan3A_148, %scan3A_149 : i32
      %scan3A_151 = arith.constant 1 : i32
      %scan3A_152 = scf.for %scan3A_178 = %scan3A_148 to %scan3A_150 step %scan3A_151 iter_args(%scan3A_179 = %broadcast_in_dim3A_147) -> (vector<16xf32>)  : i32 {
        %broadcast_in_dim3A_180 = vector.broadcast %scan3A_178 : i32 to vector<16xi32>
        %gather3A = tpu.vector_load_idx %arg10[%add3A_145, %broadcast_in_dim3A_180] : memref<128x128xf32, #tpu.memory_space<vmem>>[vector<16xi32>, vector<16xi32>], vector<16xf32>,
        %gather3A_181 = tpu.vector_load_idx %arg11[%add3A_145, %broadcast_in_dim3A_180] : memref<128x128xf32, #tpu.memory_space<vmem>>[vector<16xi32>, vector<16xi32>], vector<16xf32>,
        %mul3A_182 = arith.mulf %gather3A, %gather3A_181 : vector<16xf32>
        %add3A_183 = arith.addf %scan3A_179, %mul3A_182 : vector<16xf32>
        scf.yield %add3A_183 : vector<16xf32>
      }
      %scan3A_153 = arith.constant 128 : i32
      %mul3A_154 = arith.constant 0.0883883461 : f32
      %mul3A_155 = vector.broadcast %mul3A_154 : f32 to vector<16xf32>
      %mul3A_156 = arith.mulf %scan3A_152, %mul3A_155 : vector<16xf32>
      %exp3A_157 = math.exp %mul3A_156 : vector<16xf32>
      %swap3A_158 = arith.constant 96 : index
      %swap3A_159 = tpu.vector_load %arg12[%swap3A_158] {strides = array<i32>} : memref<128xf32, #tpu.memory_space<vmem>>, vector<16xf32>,
      tpu.vector_store %arg12[%swap3A_158], %exp3A_157 {strides = array<i32>} : memref<128xf32, #tpu.memory_space<vmem>>, vector<16xf32>,
      %add3A_160 = arith.constant 112 : i32
      %add3A_161 = vector.broadcast %add3A_160 : i32 to vector<16xi32>
      %add3A_162 = arith.addi %add3A_161, %iota3A : vector<16xi32>
      %broadcast_in_dim3A_163 = arith.constant 0.000000e+00 : f32
      %broadcast_in_dim3A_164 = vector.broadcast %broadcast_in_dim3A_163 : f32 to vector<16xf32>
      %scan3A_165 = arith.constant 0 : i32
      %scan3A_166 = arith.constant 128 : i32
      %scan3A_167 = arith.addi %scan3A_165, %scan3A_166 : i32
      %scan3A_168 = arith.constant 1 : i32
      %scan3A_169 = scf.for %scan3A_178 = %scan3A_165 to %scan3A_167 step %scan3A_168 iter_args(%scan3A_179 = %broadcast_in_dim3A_164) -> (vector<16xf32>)  : i32 {
        %broadcast_in_dim3A_180 = vector.broadcast %scan3A_178 : i32 to vector<16xi32>
        %gather3A = tpu.vector_load_idx %arg10[%add3A_162, %broadcast_in_dim3A_180] : memref<128x128xf32, #tpu.memory_space<vmem>>[vector<16xi32>, vector<16xi32>], vector<16xf32>,
        %gather3A_181 = tpu.vector_load_idx %arg11[%add3A_162, %broadcast_in_dim3A_180] : memref<128x128xf32, #tpu.memory_space<vmem>>[vector<16xi32>, vector<16xi32>], vector<16xf32>,
        %mul3A_182 = arith.mulf %gather3A, %gather3A_181 : vector<16xf32>
        %add3A_183 = arith.addf %scan3A_179, %mul3A_182 : vector<16xf32>
        scf.yield %add3A_183 : vector<16xf32>
      }
      %scan3A_170 = arith.constant 128 : i32
      %mul3A_171 = arith.constant 0.0883883461 : f32
      %mul3A_172 = vector.broadcast %mul3A_171 : f32 to vector<16xf32>
      %mul3A_173 = arith.mulf %scan3A_169, %mul3A_172 : vector<16xf32>
      %exp3A_174 = math.exp %mul3A_173 : vector<16xf32>
      %swap3A_175 = arith.constant 112 : index
      %swap3A_176 = tpu.vector_load %arg12[%swap3A_175] {strides = array<i32>} : memref<128xf32, #tpu.memory_space<vmem>>, vector<16xf32>,
      tpu.vector_store %arg12[%swap3A_175], %exp3A_174 {strides = array<i32>} : memref<128xf32, #tpu.memory_space<vmem>>, vector<16xf32>,
      "tpu.region"() ({
        %run_scoped3A = tpu.sem_alloc : memref<!tpu.dma_semaphore, #tpu.memory_space<semaphore_mem>>
        %dma_start3A_178 = tpu.memref_slice %arg6[%mul3A_33] : memref<320000xf32, #tpu.memory_space<hbm>> -> memref<128xf32, #tpu.memory_space<hbm>>
        %dma_start3A_179 = tpu.memref_slice %arg6[%mul3A_33] : memref<320000xf32, #tpu.memory_space<hbm>> -> memref<128xf32, #tpu.memory_space<hbm>>
        tpu.enqueue_dma source(%arg12 : memref<128xf32, #tpu.memory_space<vmem>>) target(%dma_start3A_179 : memref<128xf32, #tpu.memory_space<hbm>>) target_semaphore(%run_scoped3A : memref<!tpu.dma_semaphore, #tpu.memory_space<semaphore_mem>>)
        %dma_wait3A_180 = tpu.memref_slice %arg6[%mul3A_33] : memref<320000xf32, #tpu.memory_space<hbm>> -> memref<128xf32, #tpu.memory_space<hbm>>
        %dma_wait3A_181 = tpu.memref_slice %arg6[%mul3A_33] : memref<320000xf32, #tpu.memory_space<hbm>> -> memref<128xf32, #tpu.memory_space<hbm>>
        tpu.wait_dma2 semaphore(%run_scoped3A : memref<!tpu.dma_semaphore, #tpu.memory_space<semaphore_mem>>) src(%arg12 : memref<128xf32, #tpu.memory_space<vmem>>) dst(%dma_wait3A_181 : memref<128xf32, #tpu.memory_space<hbm>>)
        tpu.yield
      }) : () -> ()
      "tpu.region"() ({
        %run_scoped3A = tpu.sem_alloc : memref<!tpu.dma_semaphore, #tpu.memory_space<semaphore_mem>>
        %dma_start3A_178 = arith.constant 0 : i32
        %dma_start3A_179 = tpu.memref_slice %arg14[%dma_start3A_178] : memref<10240xf32, #tpu.memory_space<vmem_shared>> -> memref<10240xf32, #tpu.memory_space<vmem_shared>>
        tpu.enqueue_indirect_dma source(%arg12 : memref<128xf32, #tpu.memory_space<vmem>>) target(%dma_start3A_179 : memref<10240xf32, #tpu.memory_space<vmem_shared>>) offsets(%arg8 : memref<128xi32, #tpu.memory_space<vmem>>) semaphore(%run_scoped3A : memref<!tpu.dma_semaphore, #tpu.memory_space<semaphore_mem>>) {add = true}
        %dma_wait3A_180 = arith.constant 0 : i32
        %dma_wait3A_181 = tpu.memref_slice %arg14[%dma_wait3A_180] : memref<10240xf32, #tpu.memory_space<vmem_shared>> -> memref<10240xf32, #tpu.memory_space<vmem_shared>>
        tpu.wait_indirect_dma semaphore(%run_scoped3A : memref<!tpu.dma_semaphore, #tpu.memory_space<semaphore_mem>>) src(%arg12 : memref<128xf32, #tpu.memory_space<vmem>>) dst(%dma_wait3A_181 : memref<10240xf32, #tpu.memory_space<vmem_shared>>)
        tpu.yield
      }) : () -> ()
      %while3A_177 = arith.constant 0 : i32
      scf.yield %while3A_177 : i32
    }
    %while3A_20 = arith.constant 1 : i32
    %while3A_21 = scf.for %while3A_27 = %while3A_17 to %while3A_13 step %while3A_20 iter_args(%while3A_28 = %while3A_19) -> (i32)  : i32 {
      %mul3A_29 = arith.constant 32 : i32
      %mul3A_30 = arith.muli %while3A_27, %mul3A_29 : i32
      %add3A_31 = arith.addi %add3A, %mul3A_30 : i32
      %mul3A_32 = arith.constant 128 : i32
      %mul3A_33 = arith.muli %add3A_31, %mul3A_32 : i32
      "tpu.region"() ({
        %run_scoped3A = tpu.sem_alloc : memref<!tpu.dma_semaphore, #tpu.memory_space<semaphore_mem>>
        %dma_start3A_178 = tpu.memref_slice %arg5[%mul3A_33] : memref<320000xi32, #tpu.memory_space<hbm>> -> memref<128xi32, #tpu.memory_space<hbm>>
        %dma_start3A_179 = tpu.memref_slice %arg5[%mul3A_33] : memref<320000xi32, #tpu.memory_space<hbm>> -> memref<128xi32, #tpu.memory_space<hbm>>
        tpu.enqueue_dma source(%dma_start3A_179 : memref<128xi32, #tpu.memory_space<hbm>>) target(%arg8 : memref<128xi32, #tpu.memory_space<vmem>>) target_semaphore(%run_scoped3A : memref<!tpu.dma_semaphore, #tpu.memory_space<semaphore_mem>>)
        %dma_wait3A_180 = tpu.memref_slice %arg5[%mul3A_33] : memref<320000xi32, #tpu.memory_space<hbm>> -> memref<128xi32, #tpu.memory_space<hbm>>
        %dma_wait3A_181 = tpu.memref_slice %arg5[%mul3A_33] : memref<320000xi32, #tpu.memory_space<hbm>> -> memref<128xi32, #tpu.memory_space<hbm>>
        tpu.wait_dma2 semaphore(%run_scoped3A : memref<!tpu.dma_semaphore, #tpu.memory_space<semaphore_mem>>) src(%dma_wait3A_181 : memref<128xi32, #tpu.memory_space<hbm>>) dst(%arg8 : memref<128xi32, #tpu.memory_space<vmem>>)
        tpu.yield
      }) : () -> ()
      "tpu.region"() ({
        %run_scoped3A = tpu.sem_alloc : memref<!tpu.dma_semaphore, #tpu.memory_space<semaphore_mem>>
        %dma_start3A_178 = tpu.memref_slice %arg4[%mul3A_33] : memref<320000xi32, #tpu.memory_space<hbm>> -> memref<128xi32, #tpu.memory_space<hbm>>
        %dma_start3A_179 = tpu.memref_slice %arg4[%mul3A_33] : memref<320000xi32, #tpu.memory_space<hbm>> -> memref<128xi32, #tpu.memory_space<hbm>>
        tpu.enqueue_dma source(%dma_start3A_179 : memref<128xi32, #tpu.memory_space<hbm>>) target(%arg9 : memref<128xi32, #tpu.memory_space<vmem>>) target_semaphore(%run_scoped3A : memref<!tpu.dma_semaphore, #tpu.memory_space<semaphore_mem>>)
        %dma_wait3A_180 = tpu.memref_slice %arg4[%mul3A_33] : memref<320000xi32, #tpu.memory_space<hbm>> -> memref<128xi32, #tpu.memory_space<hbm>>
        %dma_wait3A_181 = tpu.memref_slice %arg4[%mul3A_33] : memref<320000xi32, #tpu.memory_space<hbm>> -> memref<128xi32, #tpu.memory_space<hbm>>
        tpu.wait_dma2 semaphore(%run_scoped3A : memref<!tpu.dma_semaphore, #tpu.memory_space<semaphore_mem>>) src(%dma_wait3A_181 : memref<128xi32, #tpu.memory_space<hbm>>) dst(%arg9 : memref<128xi32, #tpu.memory_space<vmem>>)
        tpu.yield
      }) : () -> ()
      %dma_start3A = arith.constant 0 : i32
      %dma_start3A_34 = arith.constant 0 : i32
      %dma_start3A_35 = tpu.memref_slice %arg2[%dma_start3A, %dma_start3A_34] : memref<10000x128xf32, #tpu.memory_space<hbm>> -> memref<10000x128xf32, #tpu.memory_space<hbm>>
      tpu.enqueue_indirect_dma source(%dma_start3A_35 : memref<10000x128xf32, #tpu.memory_space<hbm>>) target(%arg10 : memref<128x128xf32, #tpu.memory_space<vmem>>) offsets(%arg8 : memref<128xi32, #tpu.memory_space<vmem>>) semaphore(%arg15 : memref<!tpu.dma_semaphore, #tpu.memory_space<semaphore_mem>>)
      %dma_wait3A = arith.constant 0 : i32
      %dma_wait3A_36 = arith.constant 0 : i32
      %dma_wait3A_37 = tpu.memref_slice %arg2[%dma_wait3A, %dma_wait3A_36] : memref<10000x128xf32, #tpu.memory_space<hbm>> -> memref<10000x128xf32, #tpu.memory_space<hbm>>
      tpu.wait_indirect_dma semaphore(%arg15 : memref<!tpu.dma_semaphore, #tpu.memory_space<semaphore_mem>>) src(%dma_wait3A_37 : memref<10000x128xf32, #tpu.memory_space<hbm>>) dst(%arg10 : memref<128x128xf32, #tpu.memory_space<vmem>>)
      %dma_start3A_38 = arith.constant 0 : i32
      %dma_start3A_39 = arith.constant 0 : i32
      %dma_start3A_40 = tpu.memref_slice %arg3[%dma_start3A_38, %dma_start3A_39] : memref<10000x128xf32, #tpu.memory_space<hbm>> -> memref<10000x128xf32, #tpu.memory_space<hbm>>
      tpu.enqueue_indirect_dma source(%dma_start3A_40 : memref<10000x128xf32, #tpu.memory_space<hbm>>) target(%arg11 : memref<128x128xf32, #tpu.memory_space<vmem>>) offsets(%arg9 : memref<128xi32, #tpu.memory_space<vmem>>) semaphore(%arg15 : memref<!tpu.dma_semaphore, #tpu.memory_space<semaphore_mem>>)
      %dma_wait3A_41 = arith.constant 0 : i32
      %dma_wait3A_42 = arith.constant 0 : i32
      %dma_wait3A_43 = tpu.memref_slice %arg3[%dma_wait3A_41, %dma_wait3A_42] : memref<10000x128xf32, #tpu.memory_space<hbm>> -> memref<10000x128xf32, #tpu.memory_space<hbm>>
      tpu.wait_indirect_dma semaphore(%arg15 : memref<!tpu.dma_semaphore, #tpu.memory_space<semaphore_mem>>) src(%dma_wait3A_43 : memref<10000x128xf32, #tpu.memory_space<hbm>>) dst(%arg11 : memref<128x128xf32, #tpu.memory_space<vmem>>)
      %add3A_44 = arith.constant 0 : i32
      %add3A_45 = vector.broadcast %add3A_44 : i32 to vector<16xi32>
      %add3A_46 = arith.addi %add3A_45, %iota3A : vector<16xi32>
      %broadcast_in_dim3A = arith.constant 0.000000e+00 : f32
      %broadcast_in_dim3A_47 = vector.broadcast %broadcast_in_dim3A : f32 to vector<16xf32>
      %scan3A_48 = arith.constant 0 : i32
      %scan3A_49 = arith.constant 128 : i32
      %scan3A_50 = arith.addi %scan3A_48, %scan3A_49 : i32
      %scan3A_51 = arith.constant 1 : i32
      %scan3A_52 = scf.for %scan3A_178 = %scan3A_48 to %scan3A_50 step %scan3A_51 iter_args(%scan3A_179 = %broadcast_in_dim3A_47) -> (vector<16xf32>)  : i32 {
        %broadcast_in_dim3A_180 = vector.broadcast %scan3A_178 : i32 to vector<16xi32>
        %gather3A = tpu.vector_load_idx %arg10[%add3A_46, %broadcast_in_dim3A_180] : memref<128x128xf32, #tpu.memory_space<vmem>>[vector<16xi32>, vector<16xi32>], vector<16xf32>,
        %gather3A_181 = tpu.vector_load_idx %arg11[%add3A_46, %broadcast_in_dim3A_180] : memref<128x128xf32, #tpu.memory_space<vmem>>[vector<16xi32>, vector<16xi32>], vector<16xf32>,
        %mul3A_182 = arith.mulf %gather3A, %gather3A_181 : vector<16xf32>
        %add3A_183 = arith.addf %scan3A_179, %mul3A_182 : vector<16xf32>
        scf.yield %add3A_183 : vector<16xf32>
      }
      %scan3A_53 = arith.constant 128 : i32
      %mul3A_54 = arith.constant 0.0883883461 : f32
      %mul3A_55 = vector.broadcast %mul3A_54 : f32 to vector<16xf32>
      %mul3A_56 = arith.mulf %scan3A_52, %mul3A_55 : vector<16xf32>
      %exp3A = math.exp %mul3A_56 : vector<16xf32>
      %swap3A = arith.constant 0 : index
      %swap3A_57 = tpu.vector_load %arg12[%swap3A] {strides = array<i32>} : memref<128xf32, #tpu.memory_space<vmem>>, vector<16xf32>,
      tpu.vector_store %arg12[%swap3A], %exp3A {strides = array<i32>} : memref<128xf32, #tpu.memory_space<vmem>>, vector<16xf32>,
      %add3A_58 = arith.constant 16 : i32
      %add3A_59 = vector.broadcast %add3A_58 : i32 to vector<16xi32>
      %add3A_60 = arith.addi %add3A_59, %iota3A : vector<16xi32>
      %broadcast_in_dim3A_61 = arith.constant 0.000000e+00 : f32
      %broadcast_in_dim3A_62 = vector.broadcast %broadcast_in_dim3A_61 : f32 to vector<16xf32>
      %scan3A_63 = arith.constant 0 : i32
      %scan3A_64 = arith.constant 128 : i32
      %scan3A_65 = arith.addi %scan3A_63, %scan3A_64 : i32
      %scan3A_66 = arith.constant 1 : i32
      %scan3A_67 = scf.for %scan3A_178 = %scan3A_63 to %scan3A_65 step %scan3A_66 iter_args(%scan3A_179 = %broadcast_in_dim3A_62) -> (vector<16xf32>)  : i32 {
        %broadcast_in_dim3A_180 = vector.broadcast %scan3A_178 : i32 to vector<16xi32>
        %gather3A = tpu.vector_load_idx %arg10[%add3A_60, %broadcast_in_dim3A_180] : memref<128x128xf32, #tpu.memory_space<vmem>>[vector<16xi32>, vector<16xi32>], vector<16xf32>,
        %gather3A_181 = tpu.vector_load_idx %arg11[%add3A_60, %broadcast_in_dim3A_180] : memref<128x128xf32, #tpu.memory_space<vmem>>[vector<16xi32>, vector<16xi32>], vector<16xf32>,
        %mul3A_182 = arith.mulf %gather3A, %gather3A_181 : vector<16xf32>
        %add3A_183 = arith.addf %scan3A_179, %mul3A_182 : vector<16xf32>
        scf.yield %add3A_183 : vector<16xf32>
      }
      %scan3A_68 = arith.constant 128 : i32
      %mul3A_69 = arith.constant 0.0883883461 : f32
      %mul3A_70 = vector.broadcast %mul3A_69 : f32 to vector<16xf32>
      %mul3A_71 = arith.mulf %scan3A_67, %mul3A_70 : vector<16xf32>
      %exp3A_72 = math.exp %mul3A_71 : vector<16xf32>
      %swap3A_73 = arith.constant 16 : index
      %swap3A_74 = tpu.vector_load %arg12[%swap3A_73] {strides = array<i32>} : memref<128xf32, #tpu.memory_space<vmem>>, vector<16xf32>,
      tpu.vector_store %arg12[%swap3A_73], %exp3A_72 {strides = array<i32>} : memref<128xf32, #tpu.memory_space<vmem>>, vector<16xf32>,
      %add3A_75 = arith.constant 32 : i32
      %add3A_76 = vector.broadcast %add3A_75 : i32 to vector<16xi32>
      %add3A_77 = arith.addi %add3A_76, %iota3A : vector<16xi32>
      %broadcast_in_dim3A_78 = arith.constant 0.000000e+00 : f32
      %broadcast_in_dim3A_79 = vector.broadcast %broadcast_in_dim3A_78 : f32 to vector<16xf32>
      %scan3A_80 = arith.constant 0 : i32
      %scan3A_81 = arith.constant 128 : i32
      %scan3A_82 = arith.addi %scan3A_80, %scan3A_81 : i32
      %scan3A_83 = arith.constant 1 : i32
      %scan3A_84 = scf.for %scan3A_178 = %scan3A_80 to %scan3A_82 step %scan3A_83 iter_args(%scan3A_179 = %broadcast_in_dim3A_79) -> (vector<16xf32>)  : i32 {
        %broadcast_in_dim3A_180 = vector.broadcast %scan3A_178 : i32 to vector<16xi32>
        %gather3A = tpu.vector_load_idx %arg10[%add3A_77, %broadcast_in_dim3A_180] : memref<128x128xf32, #tpu.memory_space<vmem>>[vector<16xi32>, vector<16xi32>], vector<16xf32>,
        %gather3A_181 = tpu.vector_load_idx %arg11[%add3A_77, %broadcast_in_dim3A_180] : memref<128x128xf32, #tpu.memory_space<vmem>>[vector<16xi32>, vector<16xi32>], vector<16xf32>,
        %mul3A_182 = arith.mulf %gather3A, %gather3A_181 : vector<16xf32>
        %add3A_183 = arith.addf %scan3A_179, %mul3A_182 : vector<16xf32>
        scf.yield %add3A_183 : vector<16xf32>
      }
      %scan3A_85 = arith.constant 128 : i32
      %mul3A_86 = arith.constant 0.0883883461 : f32
      %mul3A_87 = vector.broadcast %mul3A_86 : f32 to vector<16xf32>
      %mul3A_88 = arith.mulf %scan3A_84, %mul3A_87 : vector<16xf32>
      %exp3A_89 = math.exp %mul3A_88 : vector<16xf32>
      %swap3A_90 = arith.constant 32 : index
      %swap3A_91 = tpu.vector_load %arg12[%swap3A_90] {strides = array<i32>} : memref<128xf32, #tpu.memory_space<vmem>>, vector<16xf32>,
      tpu.vector_store %arg12[%swap3A_90], %exp3A_89 {strides = array<i32>} : memref<128xf32, #tpu.memory_space<vmem>>, vector<16xf32>,
      %add3A_92 = arith.constant 48 : i32
      %add3A_93 = vector.broadcast %add3A_92 : i32 to vector<16xi32>
      %add3A_94 = arith.addi %add3A_93, %iota3A : vector<16xi32>
      %broadcast_in_dim3A_95 = arith.constant 0.000000e+00 : f32
      %broadcast_in_dim3A_96 = vector.broadcast %broadcast_in_dim3A_95 : f32 to vector<16xf32>
      %scan3A_97 = arith.constant 0 : i32
      %scan3A_98 = arith.constant 128 : i32
      %scan3A_99 = arith.addi %scan3A_97, %scan3A_98 : i32
      %scan3A_100 = arith.constant 1 : i32
      %scan3A_101 = scf.for %scan3A_178 = %scan3A_97 to %scan3A_99 step %scan3A_100 iter_args(%scan3A_179 = %broadcast_in_dim3A_96) -> (vector<16xf32>)  : i32 {
        %broadcast_in_dim3A_180 = vector.broadcast %scan3A_178 : i32 to vector<16xi32>
        %gather3A = tpu.vector_load_idx %arg10[%add3A_94, %broadcast_in_dim3A_180] : memref<128x128xf32, #tpu.memory_space<vmem>>[vector<16xi32>, vector<16xi32>], vector<16xf32>,
        %gather3A_181 = tpu.vector_load_idx %arg11[%add3A_94, %broadcast_in_dim3A_180] : memref<128x128xf32, #tpu.memory_space<vmem>>[vector<16xi32>, vector<16xi32>], vector<16xf32>,
        %mul3A_182 = arith.mulf %gather3A, %gather3A_181 : vector<16xf32>
        %add3A_183 = arith.addf %scan3A_179, %mul3A_182 : vector<16xf32>
        scf.yield %add3A_183 : vector<16xf32>
      }
      %scan3A_102 = arith.constant 128 : i32
      %mul3A_103 = arith.constant 0.0883883461 : f32
      %mul3A_104 = vector.broadcast %mul3A_103 : f32 to vector<16xf32>
      %mul3A_105 = arith.mulf %scan3A_101, %mul3A_104 : vector<16xf32>
      %exp3A_106 = math.exp %mul3A_105 : vector<16xf32>
      %swap3A_107 = arith.constant 48 : index
      %swap3A_108 = tpu.vector_load %arg12[%swap3A_107] {strides = array<i32>} : memref<128xf32, #tpu.memory_space<vmem>>, vector<16xf32>,
      tpu.vector_store %arg12[%swap3A_107], %exp3A_106 {strides = array<i32>} : memref<128xf32, #tpu.memory_space<vmem>>, vector<16xf32>,
      %add3A_109 = arith.constant 64 : i32
      %add3A_110 = vector.broadcast %add3A_109 : i32 to vector<16xi32>
      %add3A_111 = arith.addi %add3A_110, %iota3A : vector<16xi32>
      %broadcast_in_dim3A_112 = arith.constant 0.000000e+00 : f32
      %broadcast_in_dim3A_113 = vector.broadcast %broadcast_in_dim3A_112 : f32 to vector<16xf32>
      %scan3A_114 = arith.constant 0 : i32
      %scan3A_115 = arith.constant 128 : i32
      %scan3A_116 = arith.addi %scan3A_114, %scan3A_115 : i32
      %scan3A_117 = arith.constant 1 : i32
      %scan3A_118 = scf.for %scan3A_178 = %scan3A_114 to %scan3A_116 step %scan3A_117 iter_args(%scan3A_179 = %broadcast_in_dim3A_113) -> (vector<16xf32>)  : i32 {
        %broadcast_in_dim3A_180 = vector.broadcast %scan3A_178 : i32 to vector<16xi32>
        %gather3A = tpu.vector_load_idx %arg10[%add3A_111, %broadcast_in_dim3A_180] : memref<128x128xf32, #tpu.memory_space<vmem>>[vector<16xi32>, vector<16xi32>], vector<16xf32>,
        %gather3A_181 = tpu.vector_load_idx %arg11[%add3A_111, %broadcast_in_dim3A_180] : memref<128x128xf32, #tpu.memory_space<vmem>>[vector<16xi32>, vector<16xi32>], vector<16xf32>,
        %mul3A_182 = arith.mulf %gather3A, %gather3A_181 : vector<16xf32>
        %add3A_183 = arith.addf %scan3A_179, %mul3A_182 : vector<16xf32>
        scf.yield %add3A_183 : vector<16xf32>
      }
      %scan3A_119 = arith.constant 128 : i32
      %mul3A_120 = arith.constant 0.0883883461 : f32
      %mul3A_121 = vector.broadcast %mul3A_120 : f32 to vector<16xf32>
      %mul3A_122 = arith.mulf %scan3A_118, %mul3A_121 : vector<16xf32>
      %exp3A_123 = math.exp %mul3A_122 : vector<16xf32>
      %swap3A_124 = arith.constant 64 : index
      %swap3A_125 = tpu.vector_load %arg12[%swap3A_124] {strides = array<i32>} : memref<128xf32, #tpu.memory_space<vmem>>, vector<16xf32>,
      tpu.vector_store %arg12[%swap3A_124], %exp3A_123 {strides = array<i32>} : memref<128xf32, #tpu.memory_space<vmem>>, vector<16xf32>,
      %add3A_126 = arith.constant 80 : i32
      %add3A_127 = vector.broadcast %add3A_126 : i32 to vector<16xi32>
      %add3A_128 = arith.addi %add3A_127, %iota3A : vector<16xi32>
      %broadcast_in_dim3A_129 = arith.constant 0.000000e+00 : f32
      %broadcast_in_dim3A_130 = vector.broadcast %broadcast_in_dim3A_129 : f32 to vector<16xf32>
      %scan3A_131 = arith.constant 0 : i32
      %scan3A_132 = arith.constant 128 : i32
      %scan3A_133 = arith.addi %scan3A_131, %scan3A_132 : i32
      %scan3A_134 = arith.constant 1 : i32
      %scan3A_135 = scf.for %scan3A_178 = %scan3A_131 to %scan3A_133 step %scan3A_134 iter_args(%scan3A_179 = %broadcast_in_dim3A_130) -> (vector<16xf32>)  : i32 {
        %broadcast_in_dim3A_180 = vector.broadcast %scan3A_178 : i32 to vector<16xi32>
        %gather3A = tpu.vector_load_idx %arg10[%add3A_128, %broadcast_in_dim3A_180] : memref<128x128xf32, #tpu.memory_space<vmem>>[vector<16xi32>, vector<16xi32>], vector<16xf32>,
        %gather3A_181 = tpu.vector_load_idx %arg11[%add3A_128, %broadcast_in_dim3A_180] : memref<128x128xf32, #tpu.memory_space<vmem>>[vector<16xi32>, vector<16xi32>], vector<16xf32>,
        %mul3A_182 = arith.mulf %gather3A, %gather3A_181 : vector<16xf32>
        %add3A_183 = arith.addf %scan3A_179, %mul3A_182 : vector<16xf32>
        scf.yield %add3A_183 : vector<16xf32>
      }
      %scan3A_136 = arith.constant 128 : i32
      %mul3A_137 = arith.constant 0.0883883461 : f32
      %mul3A_138 = vector.broadcast %mul3A_137 : f32 to vector<16xf32>
      %mul3A_139 = arith.mulf %scan3A_135, %mul3A_138 : vector<16xf32>
      %exp3A_140 = math.exp %mul3A_139 : vector<16xf32>
      %swap3A_141 = arith.constant 80 : index
      %swap3A_142 = tpu.vector_load %arg12[%swap3A_141] {strides = array<i32>} : memref<128xf32, #tpu.memory_space<vmem>>, vector<16xf32>,
      tpu.vector_store %arg12[%swap3A_141], %exp3A_140 {strides = array<i32>} : memref<128xf32, #tpu.memory_space<vmem>>, vector<16xf32>,
      %add3A_143 = arith.constant 96 : i32
      %add3A_144 = vector.broadcast %add3A_143 : i32 to vector<16xi32>
      %add3A_145 = arith.addi %add3A_144, %iota3A : vector<16xi32>
      %broadcast_in_dim3A_146 = arith.constant 0.000000e+00 : f32
      %broadcast_in_dim3A_147 = vector.broadcast %broadcast_in_dim3A_146 : f32 to vector<16xf32>
      %scan3A_148 = arith.constant 0 : i32
      %scan3A_149 = arith.constant 128 : i32
      %scan3A_150 = arith.addi %scan3A_148, %scan3A_149 : i32
      %scan3A_151 = arith.constant 1 : i32
      %scan3A_152 = scf.for %scan3A_178 = %scan3A_148 to %scan3A_150 step %scan3A_151 iter_args(%scan3A_179 = %broadcast_in_dim3A_147) -> (vector<16xf32>)  : i32 {
        %broadcast_in_dim3A_180 = vector.broadcast %scan3A_178 : i32 to vector<16xi32>
        %gather3A = tpu.vector_load_idx %arg10[%add3A_145, %broadcast_in_dim3A_180] : memref<128x128xf32, #tpu.memory_space<vmem>>[vector<16xi32>, vector<16xi32>], vector<16xf32>,
        %gather3A_181 = tpu.vector_load_idx %arg11[%add3A_145, %broadcast_in_dim3A_180] : memref<128x128xf32, #tpu.memory_space<vmem>>[vector<16xi32>, vector<16xi32>], vector<16xf32>,
        %mul3A_182 = arith.mulf %gather3A, %gather3A_181 : vector<16xf32>
        %add3A_183 = arith.addf %scan3A_179, %mul3A_182 : vector<16xf32>
        scf.yield %add3A_183 : vector<16xf32>
      }
      %scan3A_153 = arith.constant 128 : i32
      %mul3A_154 = arith.constant 0.0883883461 : f32
      %mul3A_155 = vector.broadcast %mul3A_154 : f32 to vector<16xf32>
      %mul3A_156 = arith.mulf %scan3A_152, %mul3A_155 : vector<16xf32>
      %exp3A_157 = math.exp %mul3A_156 : vector<16xf32>
      %swap3A_158 = arith.constant 96 : index
      %swap3A_159 = tpu.vector_load %arg12[%swap3A_158] {strides = array<i32>} : memref<128xf32, #tpu.memory_space<vmem>>, vector<16xf32>,
      tpu.vector_store %arg12[%swap3A_158], %exp3A_157 {strides = array<i32>} : memref<128xf32, #tpu.memory_space<vmem>>, vector<16xf32>,
      %add3A_160 = arith.constant 112 : i32
      %add3A_161 = vector.broadcast %add3A_160 : i32 to vector<16xi32>
      %add3A_162 = arith.addi %add3A_161, %iota3A : vector<16xi32>
      %broadcast_in_dim3A_163 = arith.constant 0.000000e+00 : f32
      %broadcast_in_dim3A_164 = vector.broadcast %broadcast_in_dim3A_163 : f32 to vector<16xf32>
      %scan3A_165 = arith.constant 0 : i32
      %scan3A_166 = arith.constant 128 : i32
      %scan3A_167 = arith.addi %scan3A_165, %scan3A_166 : i32
      %scan3A_168 = arith.constant 1 : i32
      %scan3A_169 = scf.for %scan3A_178 = %scan3A_165 to %scan3A_167 step %scan3A_168 iter_args(%scan3A_179 = %broadcast_in_dim3A_164) -> (vector<16xf32>)  : i32 {
        %broadcast_in_dim3A_180 = vector.broadcast %scan3A_178 : i32 to vector<16xi32>
        %gather3A = tpu.vector_load_idx %arg10[%add3A_162, %broadcast_in_dim3A_180] : memref<128x128xf32, #tpu.memory_space<vmem>>[vector<16xi32>, vector<16xi32>], vector<16xf32>,
        %gather3A_181 = tpu.vector_load_idx %arg11[%add3A_162, %broadcast_in_dim3A_180] : memref<128x128xf32, #tpu.memory_space<vmem>>[vector<16xi32>, vector<16xi32>], vector<16xf32>,
        %mul3A_182 = arith.mulf %gather3A, %gather3A_181 : vector<16xf32>
        %add3A_183 = arith.addf %scan3A_179, %mul3A_182 : vector<16xf32>
        scf.yield %add3A_183 : vector<16xf32>
      }
      %scan3A_170 = arith.constant 128 : i32
      %mul3A_171 = arith.constant 0.0883883461 : f32
      %mul3A_172 = vector.broadcast %mul3A_171 : f32 to vector<16xf32>
      %mul3A_173 = arith.mulf %scan3A_169, %mul3A_172 : vector<16xf32>
      %exp3A_174 = math.exp %mul3A_173 : vector<16xf32>
      %swap3A_175 = arith.constant 112 : index
      %swap3A_176 = tpu.vector_load %arg12[%swap3A_175] {strides = array<i32>} : memref<128xf32, #tpu.memory_space<vmem>>, vector<16xf32>,
      tpu.vector_store %arg12[%swap3A_175], %exp3A_174 {strides = array<i32>} : memref<128xf32, #tpu.memory_space<vmem>>, vector<16xf32>,
      "tpu.region"() ({
        %run_scoped3A = tpu.sem_alloc : memref<!tpu.dma_semaphore, #tpu.memory_space<semaphore_mem>>
        %dma_start3A_178 = tpu.memref_slice %arg6[%mul3A_33] : memref<320000xf32, #tpu.memory_space<hbm>> -> memref<128xf32, #tpu.memory_space<hbm>>
        %dma_start3A_179 = tpu.memref_slice %arg6[%mul3A_33] : memref<320000xf32, #tpu.memory_space<hbm>> -> memref<128xf32, #tpu.memory_space<hbm>>
        tpu.enqueue_dma source(%arg12 : memref<128xf32, #tpu.memory_space<vmem>>) target(%dma_start3A_179 : memref<128xf32, #tpu.memory_space<hbm>>) target_semaphore(%run_scoped3A : memref<!tpu.dma_semaphore, #tpu.memory_space<semaphore_mem>>)
        %dma_wait3A_180 = tpu.memref_slice %arg6[%mul3A_33] : memref<320000xf32, #tpu.memory_space<hbm>> -> memref<128xf32, #tpu.memory_space<hbm>>
        %dma_wait3A_181 = tpu.memref_slice %arg6[%mul3A_33] : memref<320000xf32, #tpu.memory_space<hbm>> -> memref<128xf32, #tpu.memory_space<hbm>>
        tpu.wait_dma2 semaphore(%run_scoped3A : memref<!tpu.dma_semaphore, #tpu.memory_space<semaphore_mem>>) src(%arg12 : memref<128xf32, #tpu.memory_space<vmem>>) dst(%dma_wait3A_181 : memref<128xf32, #tpu.memory_space<hbm>>)
        tpu.yield
      }) : () -> ()
      "tpu.region"() ({
        %run_scoped3A = tpu.sem_alloc : memref<!tpu.dma_semaphore, #tpu.memory_space<semaphore_mem>>
        %dma_start3A_178 = arith.constant 0 : i32
        %dma_start3A_179 = tpu.memref_slice %arg14[%dma_start3A_178] : memref<10240xf32, #tpu.memory_space<vmem_shared>> -> memref<10240xf32, #tpu.memory_space<vmem_shared>>
        tpu.enqueue_indirect_dma source(%arg12 : memref<128xf32, #tpu.memory_space<vmem>>) target(%dma_start3A_179 : memref<10240xf32, #tpu.memory_space<vmem_shared>>) offsets(%arg8 : memref<128xi32, #tpu.memory_space<vmem>>) semaphore(%run_scoped3A : memref<!tpu.dma_semaphore, #tpu.memory_space<semaphore_mem>>) {add = true}
        %dma_wait3A_180 = arith.constant 0 : i32
        %dma_wait3A_181 = tpu.memref_slice %arg14[%dma_wait3A_180] : memref<10240xf32, #tpu.memory_space<vmem_shared>> -> memref<10240xf32, #tpu.memory_space<vmem_shared>>
        tpu.wait_indirect_dma semaphore(%run_scoped3A : memref<!tpu.dma_semaphore, #tpu.memory_space<semaphore_mem>>) src(%arg12 : memref<128xf32, #tpu.memory_space<vmem>>) dst(%dma_wait3A_181 : memref<10240xf32, #tpu.memory_space<vmem_shared>>)
        tpu.yield
      }) : () -> ()
      %while3A_177 = arith.constant 0 : i32
      scf.yield %while3A_177 : i32
    }
    %barrier3A_22 = arith.constant 0 : index
    tpu.barrier barrier_id(%barrier3A_22)
    %mul3A_23 = arith.constant 640 : i32
    %mul3A_24 = arith.muli %arg1, %mul3A_23 : i32
    %mul3A_25 = arith.constant 640 : i32
    %mul3A_26 = arith.muli %arg1, %mul3A_25 : i32
    "tpu.region"() ({
      %run_scoped3A = tpu.sem_alloc : memref<!tpu.dma_semaphore, #tpu.memory_space<semaphore_mem>>
      %dma_start3A = tpu.memref_slice %arg7[%arg0, %mul3A_26] : memref<2x10240xf32, #tpu.memory_space<hbm>> -> memref<1x640xf32, #tpu.memory_space<hbm>>
      %dma_start3A_27 = tpu.memref_squeeze %dma_start3A : memref<1x640xf32, #tpu.memory_space<hbm>> -> memref<640xf32, #tpu.memory_space<hbm>>
      %dma_start3A_28 = tpu.memref_slice %arg14[%mul3A_24] : memref<10240xf32, #tpu.memory_space<vmem_shared>> -> memref<640xf32, #tpu.memory_space<vmem_shared>>
      tpu.enqueue_dma source(%dma_start3A_28 : memref<640xf32, #tpu.memory_space<vmem_shared>>) target(%dma_start3A_27 : memref<640xf32, #tpu.memory_space<hbm>>) target_semaphore(%run_scoped3A : memref<!tpu.dma_semaphore, #tpu.memory_space<semaphore_mem>>)
      %dma_wait3A = tpu.memref_slice %arg7[%arg0, %mul3A_26] : memref<2x10240xf32, #tpu.memory_space<hbm>> -> memref<1x640xf32, #tpu.memory_space<hbm>>
      %dma_wait3A_29 = tpu.memref_squeeze %dma_wait3A : memref<1x640xf32, #tpu.memory_space<hbm>> -> memref<640xf32, #tpu.memory_space<hbm>>
      %dma_wait3A_30 = tpu.memref_slice %arg14[%mul3A_24] : memref<10240xf32, #tpu.memory_space<vmem_shared>> -> memref<640xf32, #tpu.memory_space<vmem_shared>>
      tpu.wait_dma2 semaphore(%run_scoped3A : memref<!tpu.dma_semaphore, #tpu.memory_space<semaphore_mem>>) src(%dma_wait3A_30 : memref<640xf32, #tpu.memory_space<vmem_shared>>) dst(%dma_wait3A_29 : memref<640xf32, #tpu.memory_space<hbm>>)
      tpu.yield
    }) : () -> ()
    return
  }
}

module attributes {stable_mosaic.version = 14 : i64} {
  func.func @_combine_body(%arg0: i32, %arg1: memref<1000x128xf32, #tpu.memory_space<vmem>>, %arg2: memref<1000x128xf32, #tpu.memory_space<vmem>>, %arg3: memref<1000x128xf32, #tpu.memory_space<vmem>>, %arg4: memref<1000x128xf32, #tpu.memory_space<vmem>>) attributes {dimension_semantics = [#tpu.dimension_semantics<arbitrary>], iteration_bounds = array<i64: 10>, scalar_prefetch = 0 : i64, scratch_operands = 0 : i64, tpu.core_type = #tpu.core_type<tc>, window_params = [{transform_indices = @transform_0, window_bounds = array<i64: 1000, 128>}, {transform_indices = @transform_1, window_bounds = array<i64: 1000, 128>}, {transform_indices = @transform_2, window_bounds = array<i64: 1000, 128>}, {transform_indices = @transform_3, window_bounds = array<i64: 1000, 128>}]} {
    %get3A = arith.constant 0 : index
    %get3A_0 = arith.constant 0 : index
    %get3A_1 = vector.load %arg1[%get3A, %get3A_0] : memref<1000x128xf32, #tpu.memory_space<vmem>>, vector<1000x128xf32>
    %get3A_2 = arith.constant 0 : index
    %get3A_3 = arith.constant 0 : index
    %get3A_4 = vector.load %arg2[%get3A_2, %get3A_3] : memref<1000x128xf32, #tpu.memory_space<vmem>>, vector<1000x128xf32>
    %add3A = arith.addf %get3A_1, %get3A_4 : vector<1000x128xf32>
    %get3A_5 = arith.constant 0 : index
    %get3A_6 = arith.constant 0 : index
    %get3A_7 = vector.load %arg3[%get3A_5, %get3A_6] : memref<1000x128xf32, #tpu.memory_space<vmem>>, vector<1000x128xf32>
    %add3A_8 = arith.addf %add3A, %get3A_7 : vector<1000x128xf32>
    %swap3A = arith.constant 0 : index
    %swap3A_9 = arith.constant 0 : index
    %swap3A_10 = vector.load %arg4[%swap3A, %swap3A_9] : memref<1000x128xf32, #tpu.memory_space<vmem>>, vector<1000x128xf32>
    tpu.vector_store %arg4[%swap3A, %swap3A_9], %add3A_8 {strides = array<i32>} : memref<1000x128xf32, #tpu.memory_space<vmem>>, vector<1000x128xf32>,
    return
  }
  func.func @transform_0(%arg0: i32) -> (i32, i32) {
    %c0_i32 = arith.constant 0 : i32
    %c0_i32_0 = arith.constant 0 : i32
    return %arg0, %c0_i32 : i32, i32
  }
  func.func @transform_1(%arg0: i32) -> (i32, i32) {
    %c0_i32 = arith.constant 0 : i32
    %c0_i32_0 = arith.constant 0 : i32
    return %arg0, %c0_i32 : i32, i32
  }
  func.func @transform_2(%arg0: i32) -> (i32, i32) {
    %c0_i32 = arith.constant 0 : i32
    %c0_i32_0 = arith.constant 0 : i32
    return %arg0, %c0_i32 : i32, i32
  }
  func.func @transform_3(%arg0: i32) -> (i32, i32) {
    %c0_i32 = arith.constant 0 : i32
    %c0_i32_0 = arith.constant 0 : i32
    return %arg0, %c0_i32 : i32, i32
  }
}

module attributes {stable_mosaic.version = 14 : i64} {
  func.func @_proj_body(%arg0: i32, %arg1: memref<1000x128xf32, #tpu.memory_space<vmem>>, %arg2: memref<128x128xf32, #tpu.memory_space<vmem>>, %arg3: memref<128x128xf32, #tpu.memory_space<vmem>>, %arg4: memref<128x128xf32, #tpu.memory_space<vmem>>, %arg5: memref<128x128xf32, #tpu.memory_space<vmem>>, %arg6: memref<1x128xf32, #tpu.memory_space<vmem>>, %arg7: memref<1x128xf32, #tpu.memory_space<vmem>>, %arg8: memref<1x128xf32, #tpu.memory_space<vmem>>, %arg9: memref<1x128xf32, #tpu.memory_space<vmem>>, %arg10: memref<1000x128xf32, #tpu.memory_space<vmem>>, %arg11: memref<1000x128xf32, #tpu.memory_space<vmem>>, %arg12: memref<1000x128xf32, #tpu.memory_space<vmem>>, %arg13: memref<1000x128xf32, #tpu.memory_space<vmem>>) attributes {dimension_semantics = [#tpu.dimension_semantics<arbitrary>], iteration_bounds = array<i64: 10>, scalar_prefetch = 0 : i64, scratch_operands = 0 : i64, tpu.core_type = #tpu.core_type<tc>, window_params = [{transform_indices = @transform_0, window_bounds = array<i64: 1000, 128>}, {pipeline_mode = #tpu.pipeline_mode<synchronous>, transform_indices = @transform_1, window_bounds = array<i64: 128, 128>}, {pipeline_mode = #tpu.pipeline_mode<synchronous>, transform_indices = @transform_2, window_bounds = array<i64: 128, 128>}, {pipeline_mode = #tpu.pipeline_mode<synchronous>, transform_indices = @transform_3, window_bounds = array<i64: 128, 128>}, {pipeline_mode = #tpu.pipeline_mode<synchronous>, transform_indices = @transform_4, window_bounds = array<i64: 128, 128>}, {pipeline_mode = #tpu.pipeline_mode<synchronous>, transform_indices = @transform_5, window_bounds = array<i64: 1, 128>}, {pipeline_mode = #tpu.pipeline_mode<synchronous>, transform_indices = @transform_6, window_bounds = array<i64: 1, 128>}, {pipeline_mode = #tpu.pipeline_mode<synchronous>, transform_indices = @transform_7, window_bounds = array<i64: 1, 128>}, {pipeline_mode = #tpu.pipeline_mode<synchronous>, transform_indices = @transform_8, window_bounds = array<i64: 1, 128>}, {transform_indices = @transform_9, window_bounds = array<i64: 1000, 128>}, {transform_indices = @transform_10, window_bounds = array<i64: 1000, 128>}, {transform_indices = @transform_11, window_bounds = array<i64: 1000, 128>}, {transform_indices = @transform_12, window_bounds = array<i64: 1000, 128>}]} {
    %get3A = arith.constant 0 : index
    %get3A_0 = arith.constant 0 : index
    %get3A_1 = vector.load %arg1[%get3A, %get3A_0] : memref<1000x128xf32, #tpu.memory_space<vmem>>, vector<1000x128xf32>
    %get3A_2 = arith.constant 0 : index
    %get3A_3 = arith.constant 0 : index
    %get3A_4 = vector.load %arg2[%get3A_2, %get3A_3] : memref<128x128xf32, #tpu.memory_space<vmem>>, vector<128x128xf32>
    %dot_general3A = arith.constant dense<0.000000e+00> : vector<1000x128xf32>
    %dot_general3A_5 = tpu.matmul %get3A_1, %get3A_4, %dot_general3A {dimension_numbers = #tpu.dot_dimension_numbers<[1], [0], [0], [1], [0, 0, 1, 1], [], []>, transpose_lhs_hint = false} : vector<1000x128xf32>, vector<128x128xf32>, vector<1000x128xf32> -> vector<1000x128xf32>
    %get3A_6 = arith.constant 0 : index
    %get3A_7 = arith.constant 0 : index
    %get3A_8 = vector.load %arg6[%get3A_6, %get3A_7] : memref<1x128xf32, #tpu.memory_space<vmem>>, vector<1x128xf32>
    %add3A = vector.broadcast %get3A_8 : vector<1x128xf32> to vector<1000x128xf32>
    %add3A_9 = arith.addf %dot_general3A_5, %add3A : vector<1000x128xf32>
    %swap3A = arith.constant 0 : index
    %swap3A_10 = arith.constant 0 : index
    %swap3A_11 = vector.load %arg10[%swap3A, %swap3A_10] : memref<1000x128xf32, #tpu.memory_space<vmem>>, vector<1000x128xf32>
    tpu.vector_store %arg10[%swap3A, %swap3A_10], %add3A_9 {strides = array<i32>} : memref<1000x128xf32, #tpu.memory_space<vmem>>, vector<1000x128xf32>,
    %get3A_12 = arith.constant 0 : index
    %get3A_13 = arith.constant 0 : index
    %get3A_14 = vector.load %arg3[%get3A_12, %get3A_13] : memref<128x128xf32, #tpu.memory_space<vmem>>, vector<128x128xf32>
    %dot_general3A_15 = arith.constant dense<0.000000e+00> : vector<1000x128xf32>
    %dot_general3A_16 = tpu.matmul %get3A_1, %get3A_14, %dot_general3A_15 {dimension_numbers = #tpu.dot_dimension_numbers<[1], [0], [0], [1], [0, 0, 1, 1], [], []>, transpose_lhs_hint = false} : vector<1000x128xf32>, vector<128x128xf32>, vector<1000x128xf32> -> vector<1000x128xf32>
    %get3A_17 = arith.constant 0 : index
    %get3A_18 = arith.constant 0 : index
    %get3A_19 = vector.load %arg7[%get3A_17, %get3A_18] : memref<1x128xf32, #tpu.memory_space<vmem>>, vector<1x128xf32>
    %add3A_20 = vector.broadcast %get3A_19 : vector<1x128xf32> to vector<1000x128xf32>
    %add3A_21 = arith.addf %dot_general3A_16, %add3A_20 : vector<1000x128xf32>
    %swap3A_22 = arith.constant 0 : index
    %swap3A_23 = arith.constant 0 : index
    %swap3A_24 = vector.load %arg11[%swap3A_22, %swap3A_23] : memref<1000x128xf32, #tpu.memory_space<vmem>>, vector<1000x128xf32>
    tpu.vector_store %arg11[%swap3A_22, %swap3A_23], %add3A_21 {strides = array<i32>} : memref<1000x128xf32, #tpu.memory_space<vmem>>, vector<1000x128xf32>,
    %get3A_25 = arith.constant 0 : index
    %get3A_26 = arith.constant 0 : index
    %get3A_27 = vector.load %arg4[%get3A_25, %get3A_26] : memref<128x128xf32, #tpu.memory_space<vmem>>, vector<128x128xf32>
    %dot_general3A_28 = arith.constant dense<0.000000e+00> : vector<1000x128xf32>
    %dot_general3A_29 = tpu.matmul %get3A_1, %get3A_27, %dot_general3A_28 {dimension_numbers = #tpu.dot_dimension_numbers<[1], [0], [0], [1], [0, 0, 1, 1], [], []>, transpose_lhs_hint = false} : vector<1000x128xf32>, vector<128x128xf32>, vector<1000x128xf32> -> vector<1000x128xf32>
    %get3A_30 = arith.constant 0 : index
    %get3A_31 = arith.constant 0 : index
    %get3A_32 = vector.load %arg8[%get3A_30, %get3A_31] : memref<1x128xf32, #tpu.memory_space<vmem>>, vector<1x128xf32>
    %add3A_33 = vector.broadcast %get3A_32 : vector<1x128xf32> to vector<1000x128xf32>
    %add3A_34 = arith.addf %dot_general3A_29, %add3A_33 : vector<1000x128xf32>
    %swap3A_35 = arith.constant 0 : index
    %swap3A_36 = arith.constant 0 : index
    %swap3A_37 = vector.load %arg12[%swap3A_35, %swap3A_36] : memref<1000x128xf32, #tpu.memory_space<vmem>>, vector<1000x128xf32>
    tpu.vector_store %arg12[%swap3A_35, %swap3A_36], %add3A_34 {strides = array<i32>} : memref<1000x128xf32, #tpu.memory_space<vmem>>, vector<1000x128xf32>,
    %get3A_38 = arith.constant 0 : index
    %get3A_39 = arith.constant 0 : index
    %get3A_40 = vector.load %arg5[%get3A_38, %get3A_39] : memref<128x128xf32, #tpu.memory_space<vmem>>, vector<128x128xf32>
    %dot_general3A_41 = arith.constant dense<0.000000e+00> : vector<1000x128xf32>
    %dot_general3A_42 = tpu.matmul %get3A_1, %get3A_40, %dot_general3A_41 {dimension_numbers = #tpu.dot_dimension_numbers<[1], [0], [0], [1], [0, 0, 1, 1], [], []>, transpose_lhs_hint = false} : vector<1000x128xf32>, vector<128x128xf32>, vector<1000x128xf32> -> vector<1000x128xf32>
    %get3A_43 = arith.constant 0 : index
    %get3A_44 = arith.constant 0 : index
    %get3A_45 = vector.load %arg9[%get3A_43, %get3A_44] : memref<1x128xf32, #tpu.memory_space<vmem>>, vector<1x128xf32>
    %add3A_46 = vector.broadcast %get3A_45 : vector<1x128xf32> to vector<1000x128xf32>
    %add3A_47 = arith.addf %dot_general3A_42, %add3A_46 : vector<1000x128xf32>
    %swap3A_48 = arith.constant 0 : index
    %swap3A_49 = arith.constant 0 : index
    %swap3A_50 = vector.load %arg13[%swap3A_48, %swap3A_49] : memref<1000x128xf32, #tpu.memory_space<vmem>>, vector<1000x128xf32>
    tpu.vector_store %arg13[%swap3A_48, %swap3A_49], %add3A_47 {strides = array<i32>} : memref<1000x128xf32, #tpu.memory_space<vmem>>, vector<1000x128xf32>,
    return
  }
  func.func @transform_0(%arg0: i32) -> (i32, i32) {
    %c0_i32 = arith.constant 0 : i32
    %c0_i32_0 = arith.constant 0 : i32
    return %arg0, %c0_i32 : i32, i32
  }
  func.func @transform_1(%arg0: i32) -> (i32, i32) {
    %c0_i32 = arith.constant 0 : i32
    %c0_i32_0 = arith.constant 0 : i32
    %c0_i32_1 = arith.constant 0 : i32
    return %c0_i32, %c0_i32_0 : i32, i32
  }
  func.func @transform_2(%arg0: i32) -> (i32, i32) {
    %c0_i32 = arith.constant 0 : i32
    %c0_i32_0 = arith.constant 0 : i32
    %c0_i32_1 = arith.constant 0 : i32
    return %c0_i32, %c0_i32_0 : i32, i32
  }
  func.func @transform_3(%arg0: i32) -> (i32, i32) {
    %c0_i32 = arith.constant 0 : i32
    %c0_i32_0 = arith.constant 0 : i32
    %c0_i32_1 = arith.constant 0 : i32
    return %c0_i32, %c0_i32_0 : i32, i32
  }
  func.func @transform_4(%arg0: i32) -> (i32, i32) {
    %c0_i32 = arith.constant 0 : i32
    %c0_i32_0 = arith.constant 0 : i32
    %c0_i32_1 = arith.constant 0 : i32
    return %c0_i32, %c0_i32_0 : i32, i32
  }
  func.func @transform_5(%arg0: i32) -> (i32, i32) {
    %c0_i32 = arith.constant 0 : i32
    %c0_i32_0 = arith.constant 0 : i32
    %c0_i32_1 = arith.constant 0 : i32
    return %c0_i32, %c0_i32_0 : i32, i32
  }
  func.func @transform_6(%arg0: i32) -> (i32, i32) {
    %c0_i32 = arith.constant 0 : i32
    %c0_i32_0 = arith.constant 0 : i32
    %c0_i32_1 = arith.constant 0 : i32
    return %c0_i32, %c0_i32_0 : i32, i32
  }
  func.func @transform_7(%arg0: i32) -> (i32, i32) {
    %c0_i32 = arith.constant 0 : i32
    %c0_i32_0 = arith.constant 0 : i32
    %c0_i32_1 = arith.constant 0 : i32
    return %c0_i32, %c0_i32_0 : i32, i32
  }
  func.func @transform_8(%arg0: i32) -> (i32, i32) {
    %c0_i32 = arith.constant 0 : i32
    %c0_i32_0 = arith.constant 0 : i32
    %c0_i32_1 = arith.constant 0 : i32
    return %c0_i32, %c0_i32_0 : i32, i32
  }
  func.func @transform_9(%arg0: i32) -> (i32, i32) {
    %c0_i32 = arith.constant 0 : i32
    %c0_i32_0 = arith.constant 0 : i32
    return %arg0, %c0_i32 : i32, i32
  }
  func.func @transform_10(%arg0: i32) -> (i32, i32) {
    %c0_i32 = arith.constant 0 : i32
    %c0_i32_0 = arith.constant 0 : i32
    return %arg0, %c0_i32 : i32, i32
  }
  func.func @transform_11(%arg0: i32) -> (i32, i32) {
    %c0_i32 = arith.constant 0 : i32
    %c0_i32_0 = arith.constant 0 : i32
    return %arg0, %c0_i32 : i32, i32
  }
  func.func @transform_12(%arg0: i32) -> (i32, i32) {
    %c0_i32 = arith.constant 0 : i32
    %c0_i32_0 = arith.constant 0 : i32
    return %arg0, %c0_i32 : i32, i32
  }
}

</mosaic_0001>

<sc_bundles>
// kernel: kernel.6.cloned.1.call-start
scs
__scs_entry_jumppad:
0x0: {  	(pc) =	sbr.rel $0x88, $3  }
0x1: {  	(tag) =	ssettag $0x0;
	lr =	simm.s32 $0x1  }
0x2: {  	[smem:$0x3F97] =	sst lr;
	_ =	strace $0xD0000000  }
0x3: {  	_ = 	snop  }
0x4: {  	_ = 	snop  }
0x5: {  	_ = 	snop  }
0x6: {  	_ = 	snop  }
0x7: {  	_ = 	snop  }
__scs_overlays_trampoline_lowered:
0x8: {  	[smem:$0x3FA6] =	sst s0  }
0x9: {  	[smem:$0x3FA7] =	sst s1  }
0xa: {  	[smem:$0x3FA8] =	sst s2  }
0xb: {  	[smem:$0x3FA9] =	sst s3  }
0xc: {  	[smem:$0x3FAA] =	sst s4  }
0xd: {  	[smem:$0x3FAB] =	sst s5  }
0xe: {  	[smem:$0x3FAC] =	sst s6  }
0xf: {  	[smem:$0x3FAD] =	sst s7  }
0x10: {  	[smem:$0x3FAE] =	sst s8  }
0x11: {  	[smem:$0x3FAF] =	sst s9;
	s0 =	simm.s32 @!p0 $0x0  }
0x12: {  	s1 =	sld [smem:$0x3F95];
	s0 =	simm.s32 @p0 $0x1  }
0x13: {  	[smem:$0x3FB0] =	sst s0;
	s0 =	simm.s32 @!p1 $0x0  }
0x14: {  	s2 =	sld [smem:$0x3F94];
	s0 =	simm.s32 @p1 $0x1  }
0x15: {  	[smem:$0x3FB1] =	sst s0;
	s0 =	simm.s32 @!p2 $0x0  }
0x16: {  	s3 =	sld [smem:$0x3FDB];
	s0 =	simm.s32 @p2 $0x1  }
0x17: {  	s4 =	simm.s32 $0x1BF5;
	[smem:$0x3FB3] =	sst s0  }
0x18: {  	s0 =	sld [smem:$0x3F96];
	_ =	swait.ge [sflag:s4], $0x0  }
0x19: {  	s7 =	sld [smem:$0x3F97]  }
0x1a: {  	s8 =	sadd.s32 $0xFFFFE003, lr  }
0x1b: {  	s9 =	sadd.s32 $0xFFFFFEF7, lr;
	s5 =	simm.s32 $0xFFFFFFFF;
	p2 =	slt.u32 s8, $0xFFFFF086  }
0x1c: {  	p1 =	slt.u32 s9, $0xF7A;
	s5 =	simm.s32 @!p2 $0x0  }
0x1d: {  	s5 =	simm.s32 @p1 $0x1;
	p0 =	seq.s32 s7, s2  }
0x1e: {  	s7 =	smul.u32 @!p0 $0xF7A, s2;
	p2 =	seq.s32 @!p0 s5, $0x0  }
0x1f: {  	s9 =	smul.u32 $0xF7A, s1;
	s8 =	simm.s32 @!p0 $0x1BF5;
	p2 =	por !p2, p0  }
0x20: {  	[sflag:s8] =	ssyncset.s32 @!p0 $0xFFFFF086;
	s6 =	sadd.s32 @!p0 s3, s7;
	s7 =	simm.s32 @!p0 $0x108  }
0x21: {  	s3 =	sadd.s32 s3, s9;
	s6 =	sadd.s32 @!p0 $0x88, s6;
	s7 =	simm.s32 @p2 $0x1082  }
0x22: {  	[simem:s7], [sflag:s8] =	dma.local @!p0 [hbm:s6], $0xF7A  }
0x23: {  	s9 =	sor.u32 $0xD0000000, s2;
	s6 =	simm.s32 $0x108;
	_ =	swait.ge @!p0 [sflag:s8], $0x0  }
0x24: {  	s3 =	sadd.s32 $0x88, s3;
	s6 =	simm.s32 @!p1 $0x1082;
	[sflag:s4] =	ssyncset.s32 $0xFFFFF086  }
0x25: {  	[simem:s6], [sflag:s4] =	dma.local [hbm:s3], $0xF7A  }
0x26: {  	[smem:$0x3F97] =	sst s1;
	(tag) =	ssettag s2;
	_ =	strace s9  }
0x27: {  	s1 =	sld [smem:$0x3FA7]  }
0x28: {  	s2 =	sld [smem:$0x3FA8]  }
0x29: {  	s4 =	sld [smem:$0x3FAA]  }
0x2a: {  	p0 =	seq.s32 s5, $0x0;
	s5 =	sld [smem:$0x3FAB]  }
0x2b: {  	s6 =	sld [smem:$0x3FAC]  }
0x2c: {  	s7 =	sld [smem:$0x3FAD]  }
0x2d: {  	s3 =	simm.s32 $0x108;
	s8 =	sld [smem:$0x3FAE]  }
0x2e: {  	s3 =	simm.s32 @!p0 $0x1082;
	s9 =	sld [smem:$0x3FAF]  }
0x2f: {  	lr =	sadd.s32 s0, s3;
	s0 =	sld [smem:$0x3FA6]  }
0x30: {  	s3 =	sld [smem:$0x3FA9]  }
0x31: {  	[smem:$0x3FB2] =	sst s10  }
0x32: {  	s10 =	sld [smem:$0x3FB0];
	_ =	sdelay $0x3  }
0x33: {  	p0 =	seq.s32 s10, $0x1;
	s10 =	sld [smem:$0x3FB2];
	_ =	sdelay $0x3  }
0x34: {  	[smem:$0x3FB2] =	sst s10  }
0x35: {  	s10 =	sld [smem:$0x3FB1];
	_ =	sdelay $0x3  }
0x36: {  	p1 =	seq.s32 s10, $0x1;
	s10 =	sld [smem:$0x3FB2];
	_ =	sdelay $0x3  }
0x37: {  	[smem:$0x3FB2] =	sst s10  }
0x38: {  	s10 =	sld [smem:$0x3FB3]  }
0x39: {  	_ = 	snop;
	(pc) =	sbr.ind lr, $3  }
0x3a: {  	_ = 	snop  }
0x3b: {  	_ = 	snop  }
0x3c: {  	p2 =	seq.s32 s10, $0x1;
	s10 =	sld [smem:$0x3FB2]  }
0x3d: {  	_ =	shalt  }
0x3e: {  	_ =	shalt  }
0x3f: {  	_ =	shalt  }
0x40: {  	_ =	shalt  }
0x41: {  	_ =	shalt  }
0x42: {  	_ =	shalt  }
0x43: {  	_ =	shalt  }
0x44: {  	_ =	shalt  }
0x45: {  	_ =	shalt  }
0x46: {  	_ =	shalt  }
0x47: {  	_ =	shalt  }
0x48: {  	_ =	shalt  }
0x49: {  	_ =	shalt  }
0x4a: {  	_ =	shalt  }
0x4b: {  	_ =	shalt  }
0x4c: {  	_ =	shalt  }
0x4d: {  	_ =	shalt  }
0x4e: {  	_ =	shalt  }
0x4f: {  	_ =	shalt  }
0x50: {  	_ =	shalt  }
0x51: {  	_ =	shalt  }
0x52: {  	_ =	shalt  }
0x53: {  	_ =	shalt  }
0x54: {  	_ =	shalt  }
0x55: {  	_ =	shalt  }
0x56: {  	_ =	shalt  }
0x57: {  	_ =	shalt  }
0x58: {  	_ =	shalt  }
0x59: {  	_ =	shalt  }
0x5a: {  	_ =	shalt  }
0x5b: {  	_ =	shalt  }
0x5c: {  	_ =	shalt  }
0x5d: {  	_ =	shalt  }
0x5e: {  	_ =	shalt  }
0x5f: {  	_ =	shalt  }
0x60: {  	_ =	shalt  }
0x61: {  	_ =	shalt  }
0x62: {  	_ =	shalt  }
0x63: {  	_ =	shalt  }
0x64: {  	_ =	shalt  }
0x65: {  	_ =	shalt  }
0x66: {  	_ =	shalt  }
0x67: {  	_ =	shalt  }
0x68: {  	_ =	shalt  }
0x69: {  	_ =	shalt  }
0x6a: {  	_ =	shalt  }
0x6b: {  	_ =	shalt  }
0x6c: {  	_ =	shalt  }
0x6d: {  	_ =	shalt  }
0x6e: {  	_ =	shalt  }
0x6f: {  	_ =	shalt  }
0x70: {  	_ =	shalt  }
0x71: {  	_ =	shalt  }
0x72: {  	_ =	shalt  }
0x73: {  	_ =	shalt  }
0x74: {  	_ =	shalt  }
0x75: {  	_ =	shalt  }
0x76: {  	_ =	shalt  }
0x77: {  	_ =	shalt  }
0x78: {  	_ =	shalt  }
0x79: {  	_ =	shalt  }
0x7a: {  	_ =	shalt  }
0x7b: {  	_ =	shalt  }
0x7c: {  	_ =	shalt  }
0x7d: {  	_ =	shalt  }
0x7e: {  	_ =	shalt  }
0x7f: {  	_ =	shalt  }
0x80: {  	_ =	shalt  }
0x81: {  	_ =	shalt  }
0x82: {  	_ =	shalt  }
0x83: {  	_ =	shalt  }
0x84: {  	_ =	shalt  }
0x85: {  	_ =	shalt  }
0x86: {  	_ =	shalt  }
0x87: {  	_ =	shalt  }
.Lfunc_end0:
.L_simem_size_0:
called_computation_lowered:
.L_overlay_start_0:
0x88: {  	s2 =	sld [smem:$0x3FD9]  }
0x89: {  	s3 =	sld [smem:$0x3FFE];
	_ =	sdelay $0x1  }
0x8a: {  	s1 =	srdreg.scid  }
0x8b: {  	s0 =	sand.u32 $0x1, s1  }
0x8c: {  	s16 =	sshll.u32 s0, $0xA;
	s2 =	sadd.s32 s3, s2  }
0x8d: {  	s2 =	sadd.s32 s2, s16  }
0x8e: {  	[smem:$0x3FBE] =	sst s2  }
0x8f: {  	_ = 	snop  }
0x90: {  	(tm) =	ssettm $0x1  }
0x91: {  	s17 =	sld [smem:$0x3FFB];
	_ =	sdelay $0x3  }
0x92: {  	_ =	strace s17  }
0x93: {  	s2 =	sld [smem:$0x3FFC];
	_ =	sdelay $0x3  }
0x94: {  	_ =	strace s2  }
0x95: {  	s2 =	sld [smem:$0x3FFD];
	_ =	sdelay $0x3  }
0x96: {  	_ =	strace s2  }
0x97: {  	_ =	strace $0x8FFFFFFF  }
0x98: {  	s18 =	sld [smem:$0x3FDB];
	_ =	sdelay $0x1  }
0x99: {  	s19 =	simm.s32 $_scs_section_size  }
0x9a: {  	s4 =	simm.s32 $_size__tile_overlayer_lowered;
	s5 =	simm.s32 $_tile_overlayer_lowered  }
0x9b: {  	s22 =	simm.s32 $0x1BFF;
	s21 =	sshll.u32 s5, $0x1;
	s2 =	sadd.s32 s19, s18  }
0x9c: {  	s6 =	simm.s32 $0x0;
	s20 =	sshll.u32 s4, $0x1;
	s4 =	sadd.s32 s21, s2  }
0x9d: {  	[timem:s6], [sflag:s22] =	dma.local [hbm:s4], s20  }
0x9e: {  	_ =	swait.ge [sflag:s22], s20  }
0x9f: {  	s3 =	ssub.s32 $0x0, s20;
	[sflag:s22] =	ssyncset.done $0x0  }
0xa0: {  	[sflag:s22] =	ssyncadd.s32 s3;
	_ =	sdelay $0x1  }
0xa1: {  	s23 =	simm.s32 $0x1B8B  }
0xa2: {  	_ =	swait.ge [sflag:s23], $0x1  }
0xa3: {  	[sflag:s23] =	ssyncset.done $0x0  }
0xa4: {  	s25 =	simm.s32 $0x1B8E;
	s24 =	sld [smem:$0x3FFE];
	[sflag:s23] =	ssyncadd.s32 $0xFFFFFFFF  }
0xa5: {  	s26 =	simm.s32 $execute0_lowered;
	[smem:$0x3FD2] =	sst s25  }
0xa6: {  	s4 =	sshll.u32 s26, $0x1;
	_ =	strace $0x80000046;
	[dreg:$0x1] =	wrdreg $0xFFFFFFFF  }
0xa7: {  	s28 =	simm.s32 $_size_execute0_lowered;
	s2 =	sadd.s32 s2, s4;
	[dreg:$0x0] =	wrdreg $0x0  }
0xa8: {  	s4 =	sshll.u32 s28, $0x1;
	[dreg:$0x2] =	wrdreg s2  }
0xa9: {  	[dreg:$0x3] =	wrdreg s4  }
0xaa: {  	[dreg:$0x4] =	wrdreg $0xC0  }
0xab: {  	_ =	task [dreg:s6], $0x5FFFF  }
0xac: {  	[dreg:$0x1] =	wrdreg $0xFFFFFFFF  }
0xad: {  	[dreg:$0x0] =	wrdreg $0x60  }
0xae: {  	[dreg:$0x2] =	wrdreg s24  }
0xaf: {  	[dreg:$0x3] =	wrdreg $0x84000  }
0xb0: {  	[dreg:$0x4] =	wrdreg $0x9  }
0xb1: {  	_ =	task.clear_ibuf [dreg:s6], $0x5FFFF;
	_ =	strace $0x90000046  }
0xb2: {  	s29 =	simm.s32 $0x9;
	_ =	strace $0x80000048  }
0xb3: {  	_ =	swait.ge [sflag:s29], $0x1  }
0xb4: {  	[sflag:s29] =	ssyncadd.s32 $0xFFFFFFFF  }
0xb5: {  	_ =	strace $0x90000048  }
0xb6: {  	_ =	sfence  }
0xb7: {  	s30 =	sld [smem:$0x0];
	_ =	sdelay $0x2  }
0xb8: {  	s31 =	sshll.u32 s1, $0xD;
	s1 =	sshrl.u32 s1, $0x2  }
0xb9: {  	s3 =	sand.u32 $0x4000, s31;
	s1 =	sadd.s32 s1, s30  }
0xba: {  	s0 =	sor.u32 s3, s0;
	s1 =	sshll.u32 s1, $0x11  }
0xbb: {  	s0 =	sor.u32 s1, s0  }
0xbc: {  	s0 =	sadd.s32 $0x8F2B, s0  }
0xbd: {  	[sflag:s0] =	ssyncadd.remote.s32 $0x1  }
0xbe: {  	_ =	sfence.sel $0xFFFF  }
0xbf: {  	[dreg:$0x0] =	wrdreg $0xFFFFFFFF;
	(pc) =	sbr.abs _section_cstart, $3  }
0xc0: {  	[dreg:$0x1] =	wrdreg $0xFFFFFFFF  }
0xc1: {  	_ =	task.clear_ibuf [dreg:s6], $0x2FFFF;
	_ =	strace $0x9FFFFFFF  }
0xc2: {  	(tm) =	ssettm $0x7FFFFFFF  }
0xc3: {  	_ =	shalt  }
tec
execute0_lowered:
.L_overlay_start_1:
0x0: {  	(tag) =	ssettag $0x1  }
0x1: {  	s9 =	rddreg [dreg:$0x0]  }
0x2: {  	s2 =	rddreg [dreg:$0x1]  }
0x3: {  	s0 =	rddreg [dreg:$0x2];
	s4 =	srdreg.scid  }
0x4: {  	s1 =	stileid.u32;
	s3 =	simm.s32 $0x0;
	s15 =	simm.s32 $0x2  }
0x5: {  	s16 =	simm.s32 $0x80;
	s17 =	simm.s32 $0x100;
	s18 =	simm.s32 $0x1  }
0x6: {  	s19 =	simm.s32 $0x4100;
	s20 =	simm.s32 $0x8100;
	s21 =	simm.s32 $0x0  }
0x7: {  	s25 =	simm.s32 $0x0;
	s11 =	sand.u32 $0x1, s4;
	s10 =	smul.u32 $0x280, s1  }
0x8: {  	[smem:$0x7FF] =	sst s3;
	s4 =	sadd.s32 $0x15A00, s9;
	s5 =	sadd.s32 $0x3CC00, s9  }
0x9: {  	s6 =	sadd.s32 $0xBC00, s9;
	p0 =	slt.u32 s1, $0x2;
	s14 =	sshll.u32 s1, $0x8  }
0xa: {  	v0 =	vlaneseq.u32;
	s7 =	smul.u32 $0x2800, s11;
	s13 =	ssub.s32 $0x2, s11;
	s11 =	sshll.u32 s11, $0x7  }
0xb: {  	v0 =	vmul.u32 $0x80, v0;
	_ =	strace $0x80000047;
	s31 =	sshrl.u32 s13, $0x1;
	s11 =	sor.u32 s11, s14  }
0xc: {  	s14 =	simm.s32 $0x8180;
	s8 =	sadd.s32 s10, s7;
	s7 =	sadd.s32 $0x1E00, s9  }
0xd: {  	v1 =	vimm.f32 $0.0e+00;
	v2 =	vor.u32 $0x800, v0;
	s13 =	ssub.s32 s13, s31;
	s12 =	sshrl.u32 s8, $0x3;
	s8 =	sadd.s32 $0x63E00, s9  }
0xe: {  	v3 =	vor.u32 $0x1000, v0;
	v4 =	vor.u32 $0x1800, v0;
	v5 =	vor.u32 $0x2000, v0;
	s12 =	sadd.s32 s12, s9;
	s9 =	sadd.s32 s10, s2;
	s10 =	simm.s32 $0x4F  }
0xf: {  	v6 =	vor.u32 $0x2800, v0;
	v7 =	vor.u32 $0x3000, v0;
	v8 =	vor.u32 $0x3800, v0;
	s13 =	smax.u32 s13, $0x1;
	s10 =	simm.s32 @!p0 $0x4E;
	s12 =	sadd.s32 $0x6DC00, s12  }
.LBB2_1:
0x10: {  	[tilespmem:$0x8180] =	vst v1  }
0x11: {  	[tilespmem:$0x8190] =	vst v1  }
0x12: {  	[tilespmem:$0x81A0] =	vst v1  }
0x13: {  	[tilespmem:$0x81B0] =	vst v1  }
0x14: {  	[tilespmem:$0x81C0] =	vst v1  }
0x15: {  	[tilespmem:$0x81D0] =	vst v1  }
0x16: {  	[tilespmem:$0x81E0] =	vst v1  }
0x17: {  	[tilespmem:$0x81F0] =	vst v1  }
0x18: {  	[tilespmem:$0x8200] =	vst v1  }
0x19: {  	[tilespmem:$0x8210] =	vst v1  }
0x1a: {  	[tilespmem:$0x8220] =	vst v1  }
0x1b: {  	[tilespmem:$0x8230] =	vst v1  }
0x1c: {  	[tilespmem:$0x8240] =	vst v1  }
0x1d: {  	[tilespmem:$0x8250] =	vst v1  }
0x1e: {  	[tilespmem:$0x8260] =	vst v1  }
0x1f: {  	[tilespmem:$0x8270] =	vst v1  }
0x20: {  	[tilespmem:$0x8280] =	vst v1  }
0x21: {  	[tilespmem:$0x8290] =	vst v1  }
0x22: {  	[tilespmem:$0x82A0] =	vst v1  }
0x23: {  	[tilespmem:$0x82B0] =	vst v1  }
0x24: {  	[tilespmem:$0x82C0] =	vst v1  }
0x25: {  	[tilespmem:$0x82D0] =	vst v1  }
0x26: {  	[tilespmem:$0x82E0] =	vst v1  }
0x27: {  	[tilespmem:$0x82F0] =	vst v1  }
0x28: {  	[tilespmem:$0x8300] =	vst v1  }
0x29: {  	[tilespmem:$0x8310] =	vst v1  }
0x2a: {  	[tilespmem:$0x8320] =	vst v1  }
0x2b: {  	[tilespmem:$0x8330] =	vst v1  }
0x2c: {  	[tilespmem:$0x8340] =	vst v1  }
0x2d: {  	[tilespmem:$0x8350] =	vst v1  }
0x2e: {  	[tilespmem:$0x8360] =	vst v1  }
0x2f: {  	[tilespmem:$0x8370] =	vst v1  }
0x30: {  	[tilespmem:$0x8380] =	vst v1  }
0x31: {  	[tilespmem:$0x8390] =	vst v1  }
0x32: {  	[tilespmem:$0x83A0] =	vst v1  }
0x33: {  	[tilespmem:$0x83B0] =	vst v1  }
0x34: {  	[tilespmem:$0x83C0] =	vst v1  }
0x35: {  	[tilespmem:$0x83D0] =	vst v1  }
0x36: {  	[tilespmem:$0x83E0] =	vst v1  }
0x37: {  	[tilespmem:$0x83F0] =	vst v1  }
0x38: {  	[spmem:s9] =	stream.linear.scatter [tilespmem:s14], [sflag:$0x2], $0x280, $0x38;
	[tilespmem:$0x8680] =	vst v63  }
0x39: {  	_ =	swait.ge [sflag:s15], $0x280  }
0x3a: {  	[sflag:s15] =	ssyncset.done $0x0  }
0x3b: {  	[sflag:s15] =	ssyncadd.s32 $0xFFFFFD80  }
0x3c: {  	s22 =	simm.s32 $0x0;
	[bflag:$0x0] =	sbarrier.arrive $0xFFFF  }
.LBB2_2:
0x3d: {  	s23 =	sshll.u32 s22, $0xC  }
0x3e: {  	s23 =	sor.u32 s11, s23  }
0x3f: {  	s23 =	sshrl.u32 s23, $0x3  }
0x40: {  	s24 =	sadd.s32 s7, s23  }
0x41: {  	[tilespmem:s25], [sflag:$0x2] =	stream.linear.gather [hbm4b:s24+s25], $0x80, $0x38;
	[tilespmem:$0x8680] =	vst v63  }
0x42: {  	_ =	swait.ge [sflag:s15], $0x80  }
0x43: {  	[sflag:s15] =	ssyncset.done $0x0  }
0x44: {  	s29 =	sadd.s32 s6, s23;
	[sflag:s15] =	ssyncadd.s32 $0xFFFFFF80  }
0x45: {  	[tilespmem:s16], [sflag:$0x2] =	stream.linear.gather [hbm4b:s29+s25], $0x80, $0x38;
	[tilespmem:$0x8680] =	vst v63  }
0x46: {  	_ =	swait.ge [sflag:s15], $0x80  }
0x47: {  	[sflag:s15] =	ssyncset.done $0x0  }
0x48: {  	v9 =	vmov s25;
	[sflag:s15] =	ssyncadd.s32 $0xFFFFFF80  }
0x49: {  	v9 =	vand.u32 $0x7F, v9;
	[tilespmem:s17], [sflag:$0x1] =	stream.indirect.gather [hbm4b:s4+s16], $0x80, s25, s16, $0xb8;
	[tilespmem:$0x8680] =	vst v63  }
0x4a: {  	v9 =	vbroadcast v9, $0x0;
	_ =	swait.ge [sflag:s18], $0x4000  }
0x4b: {  	[sflag:s18] =	ssyncset.done $0x0  }
0x4c: {  	s30 =	simm.s32 $0x1;
	v9 =	vor.u32 v0, v9;
	[sflag:s18] =	ssyncadd.s32 $0xFFFFC000  }
0x4d: {  	v10 =	vmov s30;
	[tilespmem:s19], [sflag:$0x1] =	stream.indirect.gather [hbm4b:s5+s16], $0x80, s16, s16, $0xb8;
	[tilespmem:$0x8680] =	vst v63  }
0x4e: {  	v10 =	vand.u32 $0x7F, v10;
	_ =	swait.ge [sflag:s18], $0x4000  }
0x4f: {  	v10 =	vbroadcast v10, $0x0;
	[sflag:s18] =	ssyncset.done $0x0  }
0x50: {  	[sflag:s18] =	ssyncadd.s32 $0xFFFFC000  }
0x51: {  	v11 =	vor.u32 v0, v10;
	v13 =	vld.idx.msk [tilespmem:v9+s17+$0x0], $0xffff  }
0x52: {  	s31 =	simm.s32 $0x2;
	v14 =	vld.idx.msk [tilespmem:v9+s19+$0x0], $0xffff  }
0x53: {  	v9 =	vmov s31  }
0x54: {  	v9 =	vand.u32 $0x7F, v9  }
0x55: {  	v12 =	vbroadcast v9, $0x0  }
0x56: {  	v9 =	vld.idx.msk [tilespmem:v11+s17+$0x0], $0xffff  }
0x57: {  	s24 =	simm.s32 $0x3;
	v10 =	vimm.f32 $0.0e+00;
	v11 =	vld.idx.msk [tilespmem:v11+s19+$0x0], $0xffff;
	v12 =	vor.u32 v0, v12;
	v13 =	vmul.f32 v14, v13  }
.LBB2_3:
0x58: {  	p0 =	sne.s32 s24, $0x7F  }
.Ltmp0:
0x59: {  	v14 =	vmov s24;
	v10 =	vadd.f32 v13, v10;
	(pc) =	sbr.rel @p0 .LBB2_3-.Ltmp0, $4  }
0x5a: {  	s24 =	sadd.s32 $0x1, s24;
	v15 =	vand.u32 $0x7F, v14  }
0x5b: {  	v14 =	vbroadcast v15, $0x0  }
0x5c: {  	v13 =	vmov v9;
	v9 =	vld.idx.msk [tilespmem:v12+s17+$0x0], $0xffff  }
0x5d: {  	v13 =	vmul.f32 v11, v13;
	v11 =	vld.idx.msk [tilespmem:v12+s19+$0x0], $0xffff;
	v12 =	vor.u32 v0, v14  }
0x5e: {  	_ =	sdelay $0x3  }
0x5f: {  	v14 =	vld.idx.msk [tilespmem:v12+s17+$0x0], $0xffff  }
0x60: {  	v12 =	vld.idx.msk [tilespmem:v12+s19+$0x0], $0xffff;
	_ =	sdelay $0x2  }
0x61: {  	v10 =	vadd.f32 v13, v10;
	v9 =	vmul.f32 v11, v9;
	_ =	sdelay $0x1  }
0x62: {  	v9 =	vadd.f32 v9, v10;
	v10 =	vmul.f32 v12, v14;
	_ =	sdelay $0x1  }
0x63: {  	v9 =	vadd.f32 v10, v9;
	_ =	sdelay $0x1  }
0x64: {  	v9 =	vmul.f32 $8.838834610e-02, v9;
	_ =	sdelay $0x1  }
0x65: {  	v9 =	vmul.f32 $1.442695020e+00, v9;
	_ =	sdelay $0x1  }
0x66: {  	(erf) = vpow2.f32 v9  }
0x67: {  	s24 =	simm.s32 $0x0  }
0x68: {  	v9 =	vmov s24  }
0x69: {  	v9 =	vand.u32 $0x7F, v9  }
0x6a: {  	v9 =	vbroadcast v9, $0x0;
	_ =	sdelay $0x1  }
0x6b: {  	s30 =	simm.s32 $0x1;
	v9 =	vor.u32 v2, v9  }
0x6c: {  	v10 =	vmov s30  }
0x6d: {  	v10 =	vand.u32 $0x7F, v10  }
0x6e: {  	v10 =	vbroadcast v10, $0x0;
	v11 =	vpop (erf)  }
0x6f: {  	[tilespmem:$0x8100] =	vst v11  }
0x70: {  	v11 =	vor.u32 v2, v10;
	v13 =	vld.idx.msk [tilespmem:v9+s17+$0x0], $0xffff  }
0x71: {  	s31 =	simm.s32 $0x2;
	v14 =	vld.idx.msk [tilespmem:v9+s19+$0x0], $0xffff  }
0x72: {  	v9 =	vmov s31  }
0x73: {  	v9 =	vand.u32 $0x7F, v9  }
0x74: {  	v12 =	vbroadcast v9, $0x0  }
0x75: {  	v9 =	vld.idx.msk [tilespmem:v11+s17+$0x0], $0xffff  }
0x76: {  	s24 =	simm.s32 $0x3;
	v10 =	vimm.f32 $0.0e+00;
	v12 =	vor.u32 v2, v12;
	v11 =	vld.idx.msk [tilespmem:v11+s19+$0x0], $0xffff;
	v13 =	vmul.f32 v14, v13  }
.LBB2_5:
0x77: {  	p0 =	sne.s32 s24, $0x7F  }
.Ltmp1:
0x78: {  	v14 =	vmov s24;
	v10 =	vadd.f32 v13, v10;
	(pc) =	sbr.rel @p0 .LBB2_5-.Ltmp1, $4  }
0x79: {  	s24 =	sadd.s32 $0x1, s24;
	v15 =	vand.u32 $0x7F, v14  }
0x7a: {  	v14 =	vbroadcast v15, $0x0  }
0x7b: {  	v13 =	vmov v9;
	v9 =	vld.idx.msk [tilespmem:v12+s17+$0x0], $0xffff  }
0x7c: {  	v13 =	vmul.f32 v11, v13;
	v11 =	vld.idx.msk [tilespmem:v12+s19+$0x0], $0xffff;
	v12 =	vor.u32 v2, v14  }
0x7d: {  	_ =	sdelay $0x3  }
0x7e: {  	v14 =	vld.idx.msk [tilespmem:v12+s17+$0x0], $0xffff  }
0x7f: {  	v12 =	vld.idx.msk [tilespmem:v12+s19+$0x0], $0xffff;
	_ =	sdelay $0x2  }
0x80: {  	v10 =	vadd.f32 v13, v10;
	v9 =	vmul.f32 v11, v9;
	_ =	sdelay $0x1  }
0x81: {  	v9 =	vadd.f32 v9, v10;
	v10 =	vmul.f32 v12, v14;
	_ =	sdelay $0x1  }
0x82: {  	v9 =	vadd.f32 v10, v9;
	_ =	sdelay $0x1  }
0x83: {  	v9 =	vmul.f32 $8.838834610e-02, v9;
	_ =	sdelay $0x1  }
0x84: {  	v9 =	vmul.f32 $1.442695020e+00, v9;
	_ =	sdelay $0x1  }
0x85: {  	(erf) = vpow2.f32 v9  }
0x86: {  	s24 =	simm.s32 $0x0  }
0x87: {  	v9 =	vmov s24  }
0x88: {  	v9 =	vand.u32 $0x7F, v9  }
0x89: {  	v9 =	vbroadcast v9, $0x0;
	_ =	sdelay $0x1  }
0x8a: {  	s30 =	simm.s32 $0x1;
	v9 =	vor.u32 v3, v9  }
0x8b: {  	v10 =	vmov s30  }
0x8c: {  	v10 =	vand.u32 $0x7F, v10  }
0x8d: {  	v10 =	vbroadcast v10, $0x0;
	v11 =	vpop (erf)  }
0x8e: {  	[tilespmem:$0x8110] =	vst v11  }
0x8f: {  	v11 =	vor.u32 v3, v10;
	v13 =	vld.idx.msk [tilespmem:v9+s17+$0x0], $0xffff  }
0x90: {  	s31 =	simm.s32 $0x2;
	v14 =	vld.idx.msk [tilespmem:v9+s19+$0x0], $0xffff  }
0x91: {  	v9 =	vmov s31  }
0x92: {  	v9 =	vand.u32 $0x7F, v9  }
0x93: {  	v12 =	vbroadcast v9, $0x0  }
0x94: {  	v9 =	vld.idx.msk [tilespmem:v11+s17+$0x0], $0xffff  }
0x95: {  	s24 =	simm.s32 $0x3;
	v10 =	vimm.f32 $0.0e+00;
	v12 =	vor.u32 v3, v12;
	v11 =	vld.idx.msk [tilespmem:v11+s19+$0x0], $0xffff;
	v13 =	vmul.f32 v14, v13  }
.LBB2_7:
0x96: {  	p0 =	sne.s32 s24, $0x7F  }
.Ltmp2:
0x97: {  	v14 =	vmov s24;
	v10 =	vadd.f32 v13, v10;
	(pc) =	sbr.rel @p0 .LBB2_7-.Ltmp2, $4  }
0x98: {  	s24 =	sadd.s32 $0x1, s24;
	v15 =	vand.u32 $0x7F, v14  }
0x99: {  	v14 =	vbroadcast v15, $0x0  }
0x9a: {  	v13 =	vmov v9;
	v9 =	vld.idx.msk [tilespmem:v12+s17+$0x0], $0xffff  }
0x9b: {  	v13 =	vmul.f32 v11, v13;
	v11 =	vld.idx.msk [tilespmem:v12+s19+$0x0], $0xffff;
	v12 =	vor.u32 v3, v14  }
0x9c: {  	_ =	sdelay $0x3  }
0x9d: {  	v14 =	vld.idx.msk [tilespmem:v12+s17+$0x0], $0xffff  }
0x9e: {  	v12 =	vld.idx.msk [tilespmem:v12+s19+$0x0], $0xffff;
	_ =	sdelay $0x2  }
0x9f: {  	v10 =	vadd.f32 v13, v10;
	v9 =	vmul.f32 v11, v9;
	_ =	sdelay $0x1  }
0xa0: {  	v9 =	vadd.f32 v9, v10;
	v10 =	vmul.f32 v12, v14;
	_ =	sdelay $0x1  }
0xa1: {  	v9 =	vadd.f32 v10, v9;
	_ =	sdelay $0x1  }
0xa2: {  	v9 =	vmul.f32 $8.838834610e-02, v9;
	_ =	sdelay $0x1  }
0xa3: {  	v9 =	vmul.f32 $1.442695020e+00, v9;
	_ =	sdelay $0x1  }
0xa4: {  	(erf) = vpow2.f32 v9  }
0xa5: {  	s24 =	simm.s32 $0x0  }
0xa6: {  	v9 =	vmov s24  }
0xa7: {  	v9 =	vand.u32 $0x7F, v9  }
0xa8: {  	v9 =	vbroadcast v9, $0x0;
	_ =	sdelay $0x1  }
0xa9: {  	s30 =	simm.s32 $0x1;
	v9 =	vor.u32 v4, v9  }
0xaa: {  	v10 =	vmov s30  }
0xab: {  	v10 =	vand.u32 $0x7F, v10  }
0xac: {  	v10 =	vbroadcast v10, $0x0;
	v11 =	vpop (erf)  }
0xad: {  	[tilespmem:$0x8120] =	vst v11  }
0xae: {  	v11 =	vor.u32 v4, v10;
	v13 =	vld.idx.msk [tilespmem:v9+s17+$0x0], $0xffff  }
0xaf: {  	s31 =	simm.s32 $0x2;
	v14 =	vld.idx.msk [tilespmem:v9+s19+$0x0], $0xffff  }
0xb0: {  	v9 =	vmov s31  }
0xb1: {  	v9 =	vand.u32 $0x7F, v9  }
0xb2: {  	v12 =	vbroadcast v9, $0x0  }
0xb3: {  	v9 =	vld.idx.msk [tilespmem:v11+s17+$0x0], $0xffff  }
0xb4: {  	s24 =	simm.s32 $0x3;
	v10 =	vimm.f32 $0.0e+00;
	v12 =	vor.u32 v4, v12;
	v11 =	vld.idx.msk [tilespmem:v11+s19+$0x0], $0xffff;
	v13 =	vmul.f32 v14, v13  }
.LBB2_9:
0xb5: {  	p0 =	sne.s32 s24, $0x7F  }
.Ltmp3:
0xb6: {  	v14 =	vmov s24;
	v10 =	vadd.f32 v13, v10;
	(pc) =	sbr.rel @p0 .LBB2_9-.Ltmp3, $4  }
0xb7: {  	s24 =	sadd.s32 $0x1, s24;
	v15 =	vand.u32 $0x7F, v14  }
0xb8: {  	v14 =	vbroadcast v15, $0x0  }
0xb9: {  	v13 =	vmov v9;
	v9 =	vld.idx.msk [tilespmem:v12+s17+$0x0], $0xffff  }
0xba: {  	v13 =	vmul.f32 v11, v13;
	v11 =	vld.idx.msk [tilespmem:v12+s19+$0x0], $0xffff;
	v12 =	vor.u32 v4, v14  }
0xbb: {  	_ =	sdelay $0x3  }
0xbc: {  	v14 =	vld.idx.msk [tilespmem:v12+s17+$0x0], $0xffff  }
0xbd: {  	v12 =	vld.idx.msk [tilespmem:v12+s19+$0x0], $0xffff;
	_ =	sdelay $0x2  }
0xbe: {  	v10 =	vadd.f32 v13, v10;
	v9 =	vmul.f32 v11, v9;
	_ =	sdelay $0x1  }
0xbf: {  	v9 =	vadd.f32 v9, v10;
	v10 =	vmul.f32 v12, v14;
	_ =	sdelay $0x1  }
0xc0: {  	v9 =	vadd.f32 v10, v9;
	_ =	sdelay $0x1  }
0xc1: {  	v9 =	vmul.f32 $8.838834610e-02, v9;
	_ =	sdelay $0x1  }
0xc2: {  	v9 =	vmul.f32 $1.442695020e+00, v9;
	_ =	sdelay $0x1  }
0xc3: {  	(erf) = vpow2.f32 v9  }
0xc4: {  	s24 =	simm.s32 $0x0  }
0xc5: {  	v9 =	vmov s24  }
0xc6: {  	v9 =	vand.u32 $0x7F, v9  }
0xc7: {  	v9 =	vbroadcast v9, $0x0;
	_ =	sdelay $0x1  }
0xc8: {  	s30 =	simm.s32 $0x1;
	v9 =	vor.u32 v5, v9  }
0xc9: {  	v10 =	vmov s30  }
0xca: {  	v10 =	vand.u32 $0x7F, v10  }
0xcb: {  	v10 =	vbroadcast v10, $0x0;
	v11 =	vpop (erf)  }
0xcc: {  	[tilespmem:$0x8130] =	vst v11  }
0xcd: {  	v11 =	vor.u32 v5, v10;
	v13 =	vld.idx.msk [tilespmem:v9+s17+$0x0], $0xffff  }
0xce: {  	s31 =	simm.s32 $0x2;
	v14 =	vld.idx.msk [tilespmem:v9+s19+$0x0], $0xffff  }
0xcf: {  	v9 =	vmov s31  }
0xd0: {  	v9 =	vand.u32 $0x7F, v9  }
0xd1: {  	v12 =	vbroadcast v9, $0x0  }
0xd2: {  	v9 =	vld.idx.msk [tilespmem:v11+s17+$0x0], $0xffff  }
0xd3: {  	s24 =	simm.s32 $0x3;
	v10 =	vimm.f32 $0.0e+00;
	v12 =	vor.u32 v5, v12;
	v11 =	vld.idx.msk [tilespmem:v11+s19+$0x0], $0xffff;
	v13 =	vmul.f32 v14, v13  }
.LBB2_11:
0xd4: {  	p0 =	sne.s32 s24, $0x7F  }
.Ltmp4:
0xd5: {  	v14 =	vmov s24;
	v10 =	vadd.f32 v13, v10;
	(pc) =	sbr.rel @p0 .LBB2_11-.Ltmp4, $4  }
0xd6: {  	s24 =	sadd.s32 $0x1, s24;
	v15 =	vand.u32 $0x7F, v14  }
0xd7: {  	v14 =	vbroadcast v15, $0x0  }
0xd8: {  	v13 =	vmov v9;
	v9 =	vld.idx.msk [tilespmem:v12+s17+$0x0], $0xffff  }
0xd9: {  	v13 =	vmul.f32 v11, v13;
	v11 =	vld.idx.msk [tilespmem:v12+s19+$0x0], $0xffff;
	v12 =	vor.u32 v5, v14  }
0xda: {  	_ =	sdelay $0x3  }
0xdb: {  	v14 =	vld.idx.msk [tilespmem:v12+s17+$0x0], $0xffff  }
0xdc: {  	v12 =	vld.idx.msk [tilespmem:v12+s19+$0x0], $0xffff;
	_ =	sdelay $0x2  }
0xdd: {  	v10 =	vadd.f32 v13, v10;
	v9 =	vmul.f32 v11, v9;
	_ =	sdelay $0x1  }
0xde: {  	v9 =	vadd.f32 v9, v10;
	v10 =	vmul.f32 v12, v14;
	_ =	sdelay $0x1  }
0xdf: {  	v9 =	vadd.f32 v10, v9;
	_ =	sdelay $0x1  }
0xe0: {  	v9 =	vmul.f32 $8.838834610e-02, v9;
	_ =	sdelay $0x1  }
0xe1: {  	v9 =	vmul.f32 $1.442695020e+00, v9;
	_ =	sdelay $0x1  }
0xe2: {  	(erf) = vpow2.f32 v9  }
0xe3: {  	s24 =	simm.s32 $0x0  }
0xe4: {  	v9 =	vmov s24  }
0xe5: {  	v9 =	vand.u32 $0x7F, v9  }
0xe6: {  	v9 =	vbroadcast v9, $0x0;
	_ =	sdelay $0x1  }
0xe7: {  	s30 =	simm.s32 $0x1;
	v9 =	vor.u32 v6, v9  }
0xe8: {  	v10 =	vmov s30  }
0xe9: {  	v10 =	vand.u32 $0x7F, v10  }
0xea: {  	v10 =	vbroadcast v10, $0x0;
	v11 =	vpop (erf)  }
0xeb: {  	[tilespmem:$0x8140] =	vst v11  }
0xec: {  	v11 =	vor.u32 v6, v10;
	v13 =	vld.idx.msk [tilespmem:v9+s17+$0x0], $0xffff  }
0xed: {  	s31 =	simm.s32 $0x2;
	v14 =	vld.idx.msk [tilespmem:v9+s19+$0x0], $0xffff  }
0xee: {  	v9 =	vmov s31  }
0xef: {  	v9 =	vand.u32 $0x7F, v9  }
0xf0: {  	v12 =	vbroadcast v9, $0x0  }
0xf1: {  	v9 =	vld.idx.msk [tilespmem:v11+s17+$0x0], $0xffff  }
0xf2: {  	s24 =	simm.s32 $0x3;
	v10 =	vimm.f32 $0.0e+00;
	v12 =	vor.u32 v6, v12;
	v11 =	vld.idx.msk [tilespmem:v11+s19+$0x0], $0xffff;
	v13 =	vmul.f32 v14, v13  }
.LBB2_13:
0xf3: {  	p0 =	sne.s32 s24, $0x7F  }
.Ltmp5:
0xf4: {  	v14 =	vmov s24;
	v10 =	vadd.f32 v13, v10;
	(pc) =	sbr.rel @p0 .LBB2_13-.Ltmp5, $4  }
0xf5: {  	s24 =	sadd.s32 $0x1, s24;
	v15 =	vand.u32 $0x7F, v14  }
0xf6: {  	v14 =	vbroadcast v15, $0x0  }
0xf7: {  	v13 =	vmov v9;
	v9 =	vld.idx.msk [tilespmem:v12+s17+$0x0], $0xffff  }
0xf8: {  	v13 =	vmul.f32 v11, v13;
	v11 =	vld.idx.msk [tilespmem:v12+s19+$0x0], $0xffff;
	v12 =	vor.u32 v6, v14  }
0xf9: {  	_ =	sdelay $0x3  }
0xfa: {  	v14 =	vld.idx.msk [tilespmem:v12+s17+$0x0], $0xffff  }
0xfb: {  	v12 =	vld.idx.msk [tilespmem:v12+s19+$0x0], $0xffff;
	_ =	sdelay $0x2  }
0xfc: {  	v10 =	vadd.f32 v13, v10;
	v9 =	vmul.f32 v11, v9;
	_ =	sdelay $0x1  }
0xfd: {  	v9 =	vadd.f32 v9, v10;
	v10 =	vmul.f32 v12, v14;
	_ =	sdelay $0x1  }
0xfe: {  	v9 =	vadd.f32 v10, v9;
	_ =	sdelay $0x1  }
0xff: {  	v9 =	vmul.f32 $8.838834610e-02, v9;
	_ =	sdelay $0x1  }
0x100: {  	v9 =	vmul.f32 $1.442695020e+00, v9;
	_ =	sdelay $0x1  }
0x101: {  	(erf) = vpow2.f32 v9  }
0x102: {  	s24 =	simm.s32 $0x0  }
0x103: {  	v9 =	vmov s24  }
0x104: {  	v9 =	vand.u32 $0x7F, v9  }
0x105: {  	v9 =	vbroadcast v9, $0x0;
	_ =	sdelay $0x1  }
0x106: {  	s30 =	simm.s32 $0x1;
	v9 =	vor.u32 v7, v9  }
0x107: {  	v10 =	vmov s30  }
0x108: {  	v10 =	vand.u32 $0x7F, v10  }
0x109: {  	v10 =	vbroadcast v10, $0x0;
	v11 =	vpop (erf)  }
0x10a: {  	[tilespmem:$0x8150] =	vst v11  }
0x10b: {  	v11 =	vor.u32 v7, v10;
	v13 =	vld.idx.msk [tilespmem:v9+s17+$0x0], $0xffff  }
0x10c: {  	s31 =	simm.s32 $0x2;
	v14 =	vld.idx.msk [tilespmem:v9+s19+$0x0], $0xffff  }
0x10d: {  	v9 =	vmov s31  }
0x10e: {  	v9 =	vand.u32 $0x7F, v9  }
0x10f: {  	v12 =	vbroadcast v9, $0x0  }
0x110: {  	v9 =	vld.idx.msk [tilespmem:v11+s17+$0x0], $0xffff  }
0x111: {  	s24 =	simm.s32 $0x3;
	v10 =	vimm.f32 $0.0e+00;
	v12 =	vor.u32 v7, v12;
	v11 =	vld.idx.msk [tilespmem:v11+s19+$0x0], $0xffff;
	v13 =	vmul.f32 v14, v13  }
.LBB2_15:
0x112: {  	p0 =	sne.s32 s24, $0x7F  }
.Ltmp6:
0x113: {  	v14 =	vmov s24;
	v10 =	vadd.f32 v13, v10;
	(pc) =	sbr.rel @p0 .LBB2_15-.Ltmp6, $4  }
0x114: {  	s24 =	sadd.s32 $0x1, s24;
	v15 =	vand.u32 $0x7F, v14  }
0x115: {  	v14 =	vbroadcast v15, $0x0  }
0x116: {  	v13 =	vmov v9;
	v9 =	vld.idx.msk [tilespmem:v12+s17+$0x0], $0xffff  }
0x117: {  	v13 =	vmul.f32 v11, v13;
	v11 =	vld.idx.msk [tilespmem:v12+s19+$0x0], $0xffff;
	v12 =	vor.u32 v7, v14  }
0x118: {  	_ =	sdelay $0x3  }
0x119: {  	v14 =	vld.idx.msk [tilespmem:v12+s17+$0x0], $0xffff  }
0x11a: {  	v12 =	vld.idx.msk [tilespmem:v12+s19+$0x0], $0xffff;
	_ =	sdelay $0x2  }
0x11b: {  	v10 =	vadd.f32 v13, v10;
	v9 =	vmul.f32 v11, v9;
	_ =	sdelay $0x1  }
0x11c: {  	v9 =	vadd.f32 v9, v10;
	v10 =	vmul.f32 v12, v14;
	_ =	sdelay $0x1  }
0x11d: {  	v9 =	vadd.f32 v10, v9;
	_ =	sdelay $0x1  }
0x11e: {  	v9 =	vmul.f32 $8.838834610e-02, v9;
	_ =	sdelay $0x1  }
0x11f: {  	v9 =	vmul.f32 $1.442695020e+00, v9;
	_ =	sdelay $0x1  }
0x120: {  	(erf) = vpow2.f32 v9  }
0x121: {  	s24 =	simm.s32 $0x0  }
0x122: {  	v9 =	vmov s24  }
0x123: {  	v9 =	vand.u32 $0x7F, v9  }
0x124: {  	v9 =	vbroadcast v9, $0x0;
	_ =	sdelay $0x1  }
0x125: {  	s30 =	simm.s32 $0x1;
	v9 =	vor.u32 v8, v9  }
0x126: {  	v10 =	vmov s30  }
0x127: {  	v10 =	vand.u32 $0x7F, v10  }
0x128: {  	v10 =	vbroadcast v10, $0x0;
	v11 =	vpop (erf)  }
0x129: {  	[tilespmem:$0x8160] =	vst v11  }
0x12a: {  	v11 =	vor.u32 v8, v10;
	v13 =	vld.idx.msk [tilespmem:v9+s17+$0x0], $0xffff  }
0x12b: {  	s31 =	simm.s32 $0x2;
	v14 =	vld.idx.msk [tilespmem:v9+s19+$0x0], $0xffff  }
0x12c: {  	v9 =	vmov s31  }
0x12d: {  	v9 =	vand.u32 $0x7F, v9  }
0x12e: {  	v12 =	vbroadcast v9, $0x0  }
0x12f: {  	v9 =	vld.idx.msk [tilespmem:v11+s17+$0x0], $0xffff  }
0x130: {  	s24 =	simm.s32 $0x3;
	v10 =	vimm.f32 $0.0e+00;
	v12 =	vor.u32 v8, v12;
	v11 =	vld.idx.msk [tilespmem:v11+s19+$0x0], $0xffff;
	v13 =	vmul.f32 v14, v13  }
.LBB2_17:
0x131: {  	p0 =	sne.s32 s24, $0x7F  }
.Ltmp7:
0x132: {  	v14 =	vmov s24;
	v10 =	vadd.f32 v13, v10;
	(pc) =	sbr.rel @p0 .LBB2_17-.Ltmp7, $4  }
0x133: {  	s24 =	sadd.s32 $0x1, s24;
	v15 =	vand.u32 $0x7F, v14  }
0x134: {  	v14 =	vbroadcast v15, $0x0  }
0x135: {  	v13 =	vmov v9;
	v9 =	vld.idx.msk [tilespmem:v12+s17+$0x0], $0xffff  }
0x136: {  	v13 =	vmul.f32 v11, v13;
	v11 =	vld.idx.msk [tilespmem:v12+s19+$0x0], $0xffff;
	v12 =	vor.u32 v8, v14  }
0x137: {  	_ =	sdelay $0x3  }
0x138: {  	v14 =	vld.idx.msk [tilespmem:v12+s17+$0x0], $0xffff  }
0x139: {  	v63 =	vld.idx.msk [tilespmem:v12+s19+$0x0], $0xffff;
	_ =	sdelay $0x2  }
0x13a: {  	v10 =	vadd.f32 v13, v10;
	v9 =	vmul.f32 v11, v9;
	_ =	sdelay $0x1  }
0x13b: {  	v9 =	vadd.f32 v9, v10;
	v10 =	vmul.f32 v63, v14;
	_ =	sdelay $0x1  }
0x13c: {  	v9 =	vadd.f32 v10, v9;
	_ =	sdelay $0x1  }
0x13d: {  	v9 =	vmul.f32 $8.838834610e-02, v9;
	_ =	sdelay $0x1  }
0x13e: {  	v9 =	vmul.f32 $1.442695020e+00, v9;
	_ =	sdelay $0x1  }
0x13f: {  	(erf) = vpow2.f32 v9;
	_ =	sdelay $0x8  }
0x140: {  	v9 =	vpop (erf)  }
0x141: {  	s23 =	sadd.s32 s8, s23;
	[tilespmem:$0x8170] =	vst v9  }
0x142: {  	[hbm4b:s23+s3] =	stream.linear.scatter [tilespmem:s20], [sflag:$0x2], $0x80, $0x38;
	[tilespmem:$0x8680] =	vst v63  }
0x143: {  	s22 =	sadd.s32 $0x1, s22;
	_ =	swait.ge [sflag:s15], $0x80  }
0x144: {  	p0 =	sne.s32 s22, s10;
	[sflag:s15] =	ssyncset.done $0x0  }
.Ltmp8:
0x145: {  	[sflag:s15] =	ssyncadd.s32 $0xFFFFFF80;
	(pc) =	sbr.rel @p0 .LBB2_2-.Ltmp8, $4  }
0x146: {  	[spmem:s2] =	stream.indirect.scatter.add.f32 [tilespmem:s20], [sflag:$0x2], $0x1, s3, s16, $0xb8;
	[tilespmem:$0x8680] =	vst v63  }
0x147: {  	_ =	swait.ge [sflag:s15], $0x80  }
0x148: {  	[sflag:s15] =	ssyncset.done $0x0  }
0x149: {  	[sflag:s15] =	ssyncadd.s32 $0xFFFFFF80  }
0x14a: {  	s21 =	sadd.s32 $0x1, s21  }
0x14b: {  	s22 =	sshll.u32 s1, $0x6;
	[bflag:$0x0] =	sbarrier.arrive $0xFFFF;
	p0 =	sne.s32 s21, s13  }
.Ltmp9:
0x14c: {  	s23 =	sshrl.u32 s9, $0x3;
	s22 =	sor.u32 $0x1C02, s22;
	(pc) =	sbr.rel @p0 .LBB2_1-.Ltmp9, $4  }
0x14d: {  	[hbm:s12], [sflag:s22] =	dma.local [spmem:s23], $0x50  }
0x14e: {  	_ =	swait.ge [sflag:s15], $0x50  }
0x14f: {  	[sflag:s15] =	ssyncset.done $0x0  }
0x150: {  	[sflag:s15] =	ssyncadd.s32 $0xFFFFFFB0  }
0x151: {  	_ =	sfence.sel $0x180000  }
0x152: {  	[bflag:$0x0] =	sbarrier.arrive $0xFFFF  }
0x153: {  	p0 =	sne.s32 s1, $0x0;
	_ =	strace $0x90000047  }
0x154: {  	s0 =	sadd.s32 @!p0 $0x100000, s0;
	[bflag:$0x2] =	sbarrier.arrive $0xFFFF  }
0x155: {  	[sflag:s0] =	ssyncadd.tile.s32 @!p0 $0x1;
	_ =	shalt  }
.Lfunc_end2:
_tile_overlayer_lowered:
.L_overlay_start_2:
0x156: {  	(tag) =	ssettag $0x2  }
0x157: {  	s0 =	rddreg [dreg:$0x0];
	s2 =	stileid.u32  }
0x158: {  	s1 =	rddreg [dreg:$0x1];
	p0 =	sne.s32 s2, $0x0  }
0x159: {  	s3 =	rddreg [dreg:$0x2];
	[bflag:$0x3] =	sbarrier.arrive $0xFFFF;
	s2 =	simm.s32 @!p0 $0x1C02  }
0x15a: {  	[timem:s3], [sflag:s2] =	dma.local @!p0 [hbm:s0], s1  }
0x15b: {  	s0 =	simm.s32 @!p0 $0x2  }
0x15c: {  	_ =	swait.ge @!p0 [sflag:s0], s1  }
0x15d: {  	s1 =	ssub.s32 @!p0 $0x0, s1;
	[sflag:s0] =	ssyncset.done @!p0 $0x0  }
0x15e: {  	[sflag:s0] =	ssyncadd.s32 @!p0 s1  }
0x15f: {  	[bflag:$0x3] =	sbarrier.arrive $0xFFFF  }
0x160: {  	_ =	shalt  }

// kernel: kernel.9.cloned.1.call-start
scs
__scs_entry_jumppad:
0x0: {  	(pc) =	sbr.rel $0x88, $3  }
0x1: {  	(tag) =	ssettag $0x0;
	lr =	simm.s32 $0x1  }
0x2: {  	[smem:$0x3F97] =	sst lr;
	_ =	strace $0xD0000000  }
0x3: {  	_ = 	snop  }
0x4: {  	_ = 	snop  }
0x5: {  	_ = 	snop  }
0x6: {  	_ = 	snop  }
0x7: {  	_ = 	snop  }
__scs_overlays_trampoline_lowered:
0x8: {  	[smem:$0x3FA6] =	sst s0  }
0x9: {  	[smem:$0x3FA7] =	sst s1  }
0xa: {  	[smem:$0x3FA8] =	sst s2  }
0xb: {  	[smem:$0x3FA9] =	sst s3  }
0xc: {  	[smem:$0x3FAA] =	sst s4  }
0xd: {  	[smem:$0x3FAB] =	sst s5  }
0xe: {  	[smem:$0x3FAC] =	sst s6  }
0xf: {  	[smem:$0x3FAD] =	sst s7  }
0x10: {  	[smem:$0x3FAE] =	sst s8  }
0x11: {  	[smem:$0x3FAF] =	sst s9;
	s0 =	simm.s32 @!p0 $0x0  }
0x12: {  	s1 =	sld [smem:$0x3F95];
	s0 =	simm.s32 @p0 $0x1  }
0x13: {  	[smem:$0x3FB0] =	sst s0;
	s0 =	simm.s32 @!p1 $0x0  }
0x14: {  	s2 =	sld [smem:$0x3F94];
	s0 =	simm.s32 @p1 $0x1  }
0x15: {  	[smem:$0x3FB1] =	sst s0;
	s0 =	simm.s32 @!p2 $0x0  }
0x16: {  	s3 =	sld [smem:$0x3FDB];
	s0 =	simm.s32 @p2 $0x1  }
0x17: {  	s4 =	simm.s32 $0x1BF5;
	[smem:$0x3FB3] =	sst s0  }
0x18: {  	s0 =	sld [smem:$0x3F96];
	_ =	swait.ge [sflag:s4], $0x0  }
0x19: {  	s7 =	sld [smem:$0x3F97]  }
0x1a: {  	s8 =	sadd.s32 $0xFFFFE003, lr  }
0x1b: {  	s9 =	sadd.s32 $0xFFFFFEF7, lr;
	s5 =	simm.s32 $0xFFFFFFFF;
	p2 =	slt.u32 s8, $0xFFFFF086  }
0x1c: {  	p1 =	slt.u32 s9, $0xF7A;
	s5 =	simm.s32 @!p2 $0x0  }
0x1d: {  	s5 =	simm.s32 @p1 $0x1;
	p0 =	seq.s32 s7, s2  }
0x1e: {  	s7 =	smul.u32 @!p0 $0xF7A, s2;
	p2 =	seq.s32 @!p0 s5, $0x0  }
0x1f: {  	s9 =	smul.u32 $0xF7A, s1;
	s8 =	simm.s32 @!p0 $0x1BF5;
	p2 =	por !p2, p0  }
0x20: {  	[sflag:s8] =	ssyncset.s32 @!p0 $0xFFFFF086;
	s6 =	sadd.s32 @!p0 s3, s7;
	s7 =	simm.s32 @!p0 $0x108  }
0x21: {  	s3 =	sadd.s32 s3, s9;
	s6 =	sadd.s32 @!p0 $0x88, s6;
	s7 =	simm.s32 @p2 $0x1082  }
0x22: {  	[simem:s7], [sflag:s8] =	dma.local @!p0 [hbm:s6], $0xF7A  }
0x23: {  	s9 =	sor.u32 $0xD0000000, s2;
	s6 =	simm.s32 $0x108;
	_ =	swait.ge @!p0 [sflag:s8], $0x0  }
0x24: {  	s3 =	sadd.s32 $0x88, s3;
	s6 =	simm.s32 @!p1 $0x1082;
	[sflag:s4] =	ssyncset.s32 $0xFFFFF086  }
0x25: {  	[simem:s6], [sflag:s4] =	dma.local [hbm:s3], $0xF7A  }
0x26: {  	[smem:$0x3F97] =	sst s1;
	(tag) =	ssettag s2;
	_ =	strace s9  }
0x27: {  	s1 =	sld [smem:$0x3FA7]  }
0x28: {  	s2 =	sld [smem:$0x3FA8]  }
0x29: {  	s4 =	sld [smem:$0x3FAA]  }
0x2a: {  	p0 =	seq.s32 s5, $0x0;
	s5 =	sld [smem:$0x3FAB]  }
0x2b: {  	s6 =	sld [smem:$0x3FAC]  }
0x2c: {  	s7 =	sld [smem:$0x3FAD]  }
0x2d: {  	s3 =	simm.s32 $0x108;
	s8 =	sld [smem:$0x3FAE]  }
0x2e: {  	s3 =	simm.s32 @!p0 $0x1082;
	s9 =	sld [smem:$0x3FAF]  }
0x2f: {  	lr =	sadd.s32 s0, s3;
	s0 =	sld [smem:$0x3FA6]  }
0x30: {  	s3 =	sld [smem:$0x3FA9]  }
0x31: {  	[smem:$0x3FB2] =	sst s10  }
0x32: {  	s10 =	sld [smem:$0x3FB0];
	_ =	sdelay $0x3  }
0x33: {  	p0 =	seq.s32 s10, $0x1;
	s10 =	sld [smem:$0x3FB2];
	_ =	sdelay $0x3  }
0x34: {  	[smem:$0x3FB2] =	sst s10  }
0x35: {  	s10 =	sld [smem:$0x3FB1];
	_ =	sdelay $0x3  }
0x36: {  	p1 =	seq.s32 s10, $0x1;
	s10 =	sld [smem:$0x3FB2];
	_ =	sdelay $0x3  }
0x37: {  	[smem:$0x3FB2] =	sst s10  }
0x38: {  	s10 =	sld [smem:$0x3FB3]  }
0x39: {  	_ = 	snop;
	(pc) =	sbr.ind lr, $3  }
0x3a: {  	_ = 	snop  }
0x3b: {  	_ = 	snop  }
0x3c: {  	p2 =	seq.s32 s10, $0x1;
	s10 =	sld [smem:$0x3FB2]  }
0x3d: {  	_ =	shalt  }
0x3e: {  	_ =	shalt  }
0x3f: {  	_ =	shalt  }
0x40: {  	_ =	shalt  }
0x41: {  	_ =	shalt  }
0x42: {  	_ =	shalt  }
0x43: {  	_ =	shalt  }
0x44: {  	_ =	shalt  }
0x45: {  	_ =	shalt  }
0x46: {  	_ =	shalt  }
0x47: {  	_ =	shalt  }
0x48: {  	_ =	shalt  }
0x49: {  	_ =	shalt  }
0x4a: {  	_ =	shalt  }
0x4b: {  	_ =	shalt  }
0x4c: {  	_ =	shalt  }
0x4d: {  	_ =	shalt  }
0x4e: {  	_ =	shalt  }
0x4f: {  	_ =	shalt  }
0x50: {  	_ =	shalt  }
0x51: {  	_ =	shalt  }
0x52: {  	_ =	shalt  }
0x53: {  	_ =	shalt  }
0x54: {  	_ =	shalt  }
0x55: {  	_ =	shalt  }
0x56: {  	_ =	shalt  }
0x57: {  	_ =	shalt  }
0x58: {  	_ =	shalt  }
0x59: {  	_ =	shalt  }
0x5a: {  	_ =	shalt  }
0x5b: {  	_ =	shalt  }
0x5c: {  	_ =	shalt  }
0x5d: {  	_ =	shalt  }
0x5e: {  	_ =	shalt  }
0x5f: {  	_ =	shalt  }
0x60: {  	_ =	shalt  }
0x61: {  	_ =	shalt  }
0x62: {  	_ =	shalt  }
0x63: {  	_ =	shalt  }
0x64: {  	_ =	shalt  }
0x65: {  	_ =	shalt  }
0x66: {  	_ =	shalt  }
0x67: {  	_ =	shalt  }
0x68: {  	_ =	shalt  }
0x69: {  	_ =	shalt  }
0x6a: {  	_ =	shalt  }
0x6b: {  	_ =	shalt  }
0x6c: {  	_ =	shalt  }
0x6d: {  	_ =	shalt  }
0x6e: {  	_ =	shalt  }
0x6f: {  	_ =	shalt  }
0x70: {  	_ =	shalt  }
0x71: {  	_ =	shalt  }
0x72: {  	_ =	shalt  }
0x73: {  	_ =	shalt  }
0x74: {  	_ =	shalt  }
0x75: {  	_ =	shalt  }
0x76: {  	_ =	shalt  }
0x77: {  	_ =	shalt  }
0x78: {  	_ =	shalt  }
0x79: {  	_ =	shalt  }
0x7a: {  	_ =	shalt  }
0x7b: {  	_ =	shalt  }
0x7c: {  	_ =	shalt  }
0x7d: {  	_ =	shalt  }
0x7e: {  	_ =	shalt  }
0x7f: {  	_ =	shalt  }
0x80: {  	_ =	shalt  }
0x81: {  	_ =	shalt  }
0x82: {  	_ =	shalt  }
0x83: {  	_ =	shalt  }
0x84: {  	_ =	shalt  }
0x85: {  	_ =	shalt  }
0x86: {  	_ =	shalt  }
0x87: {  	_ =	shalt  }
.Lfunc_end0:
.L_simem_size_0:
called_computation.1_lowered:
.L_overlay_start_0:
0x88: {  	s2 =	sld [smem:$0x3FD9]  }
0x89: {  	s3 =	sld [smem:$0x3FFE];
	_ =	sdelay $0x1  }
0x8a: {  	s1 =	srdreg.scid  }
0x8b: {  	s0 =	sand.u32 $0x1, s1  }
0x8c: {  	s17 =	sshll.u32 s0, $0xA;
	s2 =	sadd.s32 s3, s2  }
0x8d: {  	s2 =	sadd.s32 s2, s17  }
0x8e: {  	[smem:$0x3FBE] =	sst s2  }
0x8f: {  	_ = 	snop  }
0x90: {  	s2 =	sld [smem:$0x3FD0];
	(tm) =	ssettm $0x1  }
0x91: {  	s18 =	sld [smem:$0x3FFB];
	_ =	sdelay $0x3  }
0x92: {  	_ =	strace s18  }
0x93: {  	s3 =	sld [smem:$0x3FFC];
	_ =	sdelay $0x3  }
0x94: {  	_ =	strace s3  }
0x95: {  	s3 =	sld [smem:$0x3FFD];
	_ =	sdelay $0x3  }
0x96: {  	_ =	strace s3  }
0x97: {  	_ =	strace $0x8FFFFFFF  }
0x98: {  	s19 =	sld [smem:$0x3FDB];
	_ =	sdelay $0x1  }
0x99: {  	s4 =	simm.s32 $_scs_section_size  }
0x9a: {  	s5 =	simm.s32 $_size__tile_overlayer_lowered;
	s6 =	simm.s32 $_tile_overlayer_lowered  }
0x9b: {  	s22 =	simm.s32 $0x1BFF;
	s21 =	sshll.u32 s6, $0x1;
	s3 =	sadd.s32 s4, s19  }
0x9c: {  	s7 =	simm.s32 $0x0;
	s20 =	sshll.u32 s5, $0x1;
	s5 =	sadd.s32 s21, s3  }
0x9d: {  	[timem:s7], [sflag:s22] =	dma.local [hbm:s5], s20  }
0x9e: {  	_ =	swait.ge [sflag:s22], s20  }
0x9f: {  	s4 =	ssub.s32 $0x0, s20;
	[sflag:s22] =	ssyncset.done $0x0  }
0xa0: {  	[sflag:s22] =	ssyncadd.s32 s4;
	_ =	sdelay $0x1  }
0xa1: {  	s23 =	simm.s32 $0x1B8B  }
0xa2: {  	_ =	swait.ge [sflag:s23], $0x1  }
0xa3: {  	[sflag:s23] =	ssyncset.done $0x0  }
0xa4: {  	s25 =	simm.s32 $0x1B8E;
	s24 =	sld [smem:$0x3FFE];
	[sflag:s23] =	ssyncadd.s32 $0xFFFFFFFF  }
0xa5: {  	s26 =	simm.s32 $execute0_lowered;
	[smem:$0x3FD2] =	sst s25  }
0xa6: {  	s5 =	sshll.u32 s26, $0x1;
	_ =	strace $0x80000049;
	[dreg:$0x1] =	wrdreg $0xFFFFFFFF  }
0xa7: {  	s28 =	simm.s32 $_size_execute0_lowered;
	s3 =	sadd.s32 s3, s5;
	[dreg:$0x0] =	wrdreg $0x0  }
0xa8: {  	s5 =	sshll.u32 s28, $0x1;
	[dreg:$0x2] =	wrdreg s3  }
0xa9: {  	[dreg:$0x3] =	wrdreg s5  }
0xaa: {  	[dreg:$0x4] =	wrdreg $0xC0  }
0xab: {  	_ =	task [dreg:s7], $0x5FFFF  }
0xac: {  	[dreg:$0x1] =	wrdreg $0xFFFFFFFF  }
0xad: {  	[dreg:$0x0] =	wrdreg $0x60  }
0xae: {  	[dreg:$0x2] =	wrdreg s2  }
0xaf: {  	[dreg:$0x3] =	wrdreg s24  }
0xb0: {  	[dreg:$0x4] =	wrdreg $0x6C000  }
0xb1: {  	[dreg:$0x5] =	wrdreg $0x9  }
0xb2: {  	_ =	task.clear_ibuf [dreg:s7], $0x6FFFF;
	_ =	strace $0x90000049  }
0xb3: {  	s29 =	simm.s32 $0x9;
	_ =	strace $0x8000004B  }
0xb4: {  	_ =	swait.ge [sflag:s29], $0x1  }
0xb5: {  	[sflag:s29] =	ssyncadd.s32 $0xFFFFFFFF  }
0xb6: {  	_ =	strace $0x9000004B  }
0xb7: {  	_ =	sfence  }
0xb8: {  	s30 =	sld [smem:$0x0];
	_ =	sdelay $0x2  }
0xb9: {  	s31 =	sshll.u32 s1, $0xD;
	s1 =	sshrl.u32 s1, $0x2  }
0xba: {  	s3 =	sand.u32 $0x4000, s31;
	s1 =	sadd.s32 s1, s30  }
0xbb: {  	s0 =	sor.u32 s3, s0;
	s1 =	sshll.u32 s1, $0x11  }
0xbc: {  	s0 =	sor.u32 s1, s0  }
0xbd: {  	s0 =	sadd.s32 $0x8F2B, s0  }
0xbe: {  	[sflag:s0] =	ssyncadd.remote.s32 $0x1  }
0xbf: {  	_ =	sfence.sel $0xFFFF  }
0xc0: {  	[dreg:$0x0] =	wrdreg $0xFFFFFFFF;
	(pc) =	sbr.abs _section_cstart, $3  }
0xc1: {  	[dreg:$0x1] =	wrdreg $0xFFFFFFFF  }
0xc2: {  	_ =	task.clear_ibuf [dreg:s7], $0x2FFFF;
	_ =	strace $0x9FFFFFFF  }
0xc3: {  	(tm) =	ssettm $0x7FFFFFFF  }
tec
execute0_lowered:
.L_overlay_start_1:
0x0: {  	(tag) =	ssettag $0x1  }
0x1: {  	s1 =	rddreg [dreg:$0x0]  }
0x2: {  	s9 =	rddreg [dreg:$0x1]  }
0x3: {  	s2 =	rddreg [dreg:$0x2];
	s3 =	srdreg.scid  }
0x4: {  	s0 =	rddreg [dreg:$0x3];
	s4 =	simm.s32 $0x0;
	s17 =	simm.s32 $0x80  }
0x5: {  	s18 =	simm.s32 $0x100;
	s19 =	simm.s32 $0x1;
	s20 =	simm.s32 $0x4180  }
0x6: {  	s22 =	simm.s32 $0x0;
	s10 =	sand.u32 $0x1, s3;
	s3 =	stileid.u32  }
0x7: {  	[smem:$0x7FF] =	sst s4;
	s5 =	sadd.s32 $0xBC00, s9;
	s8 =	smul.u32 $0x138800, s10  }
0x8: {  	s6 =	sadd.s32 $0x1E00, s9;
	s7 =	sadd.s32 $0x63E00, s9;
	s13 =	smul.u32 $0x13880, s3  }
0x9: {  	_ =	strace $0x8000004A;
	s12 =	ssub.s32 $0x2, s10;
	s14 =	smul.u32 $0x50000, s3  }
0xa: {  	p0 =	slt.u32 s3, $0x2;
	s30 =	sshll.u32 s3, $0x8;
	s28 =	sshrl.u32 s12, $0x1  }
0xb: {  	v0 =	vlaneseq.u32;
	s31 =	sshll.u32 s10, $0x7;
	s8 =	sadd.s32 s13, s8;
	s16 =	ssub.s32 s12, s28  }
0xc: {  	v0 =	vmul.u32 $0x80, v0;
	s29 =	sshrl.u32 s14, $0x2;
	s21 =	sadd.s32 s13, s2;
	s14 =	simm.s32 $0x2  }
0xd: {  	s11 =	sshrl.u32 s8, $0x3;
	s8 =	sadd.s32 $0x6DC00, s9;
	s10 =	sadd.s32 s29, s2  }
0xe: {  	v1 =	vimm.f32 $0.0e+00;
	v2 =	vor.u32 $0x800, v0;
	s13 =	smax.u32 s16, $0x1;
	s16 =	simm.s32 $0x180;
	s21 =	sshrl.u32 s21, $0x3  }
0xf: {  	v3 =	vor.u32 $0x1000, v0;
	v4 =	vor.u32 $0x1800, v0;
	v5 =	vor.u32 $0x2000, v0;
	s15 =	sadd.s32 s11, s9;
	s9 =	simm.s32 $0x4F;
	s11 =	sor.u32 s31, s30  }
0x10: {  	v6 =	vor.u32 $0x2800, v0;
	v7 =	vor.u32 $0x3000, v0;
	v8 =	vor.u32 $0x3800, v0;
	s9 =	simm.s32 @!p0 $0x4E;
	s12 =	sadd.s32 $0x15A00, s15;
	s15 =	simm.s32 $0x6980  }
.LBB2_1:
0x11: {  	[tilespmem:s20], [sflag:$0x2] =	stream.linear.gather [hbm4b:s8+s4], $0x2800, $0x38;
	[tilespmem:$0x1AC00] =	vst v63  }
0x12: {  	_ =	swait.ge [sflag:s14], $0x2800  }
0x13: {  	[sflag:s14] =	ssyncset.done $0x0  }
0x14: {  	s23 =	simm.s32 $0x4180;
	s24 =	simm.s32 $0x0;
	[sflag:s14] =	ssyncadd.s32 $0xFFFFD800  }
.LBB2_2:
0x15: {  	s25 =	smul.u32 $0x280, s24;
	_ =	sdelay $0x1  }
0x16: {  	s25 =	sshrl.u32 s25, $0x3  }
0x17: {  	s25 =	sadd.s32 s8, s25  }
0x18: {  	s26 =	simm.s32 $0x0;
	v9 =	vmov s23;
	s25 =	sadd.s32 $0x500, s25  }
0x19: {  	[tilespmem:s15], [sflag:$0x2] =	stream.linear.gather [hbm4b:s25+s26], $0x280, $0x38;
	[tilespmem:$0x1AC00] =	vst v63  }
0x1a: {  	_ =	swait.ge [sflag:s14], $0x280  }
0x1b: {  	[sflag:s14] =	ssyncset.done $0x0  }
0x1c: {  	s25 =	simm.s32 $0x0;
	s26 =	simm.s32 $0x40;
	[sflag:s14] =	ssyncadd.s32 $0xFFFFFD80  }
.LBB2_3:
0x1d: {  	p0 =	sne.s32 s26, $0x9C0;
	v10 =	vld.idx.msk [tilespmem:v9+s25+$0x0 ss:$0x1], $0xffff  }
0x1e: {  	v11 =	vld [tilespmem:s25+$0x6980];
	_ =	sdelay $0x4  }
.Ltmp0:
0x1f: {  	v10 =	vadd.f32 v11, v10;
	(pc) =	sbr.rel @p0 .LBB2_3-.Ltmp0, $3  }
0x20: {  	_ = 	snop  }
0x21: {  	v10 =	vadd.f32 $1.000000020e-16, v10;
	_ =	sdelay $0x1  }
0x22: {  	[tilespmem:v9+s25+$0x0 ss:$0x1] =	vst.idx.msk $0xffff, v10;
	s25 =	sshra.s32 s26, $0x2;
	s26 =	sadd.s32 $0x40, s26  }
0x23: {  	_ =	sdelay $0x3  }
0x24: {  	v10 =	vld.idx.msk [tilespmem:v9+s25+$0x0 ss:$0x1], $0xffff  }
0x25: {  	v11 =	vld [tilespmem:s25+$0x6980];
	_ =	sdelay $0x2  }
0x26: {  	s24 =	sadd.s32 $0x1, s24  }
0x27: {  	p0 =	sne.s32 s24, $0x10  }
.Ltmp1:
0x28: {  	v10 =	vadd.f32 v11, v10;
	(pc) =	sbr.rel @p0 .LBB2_2-.Ltmp1, $3  }
0x29: {  	_ = 	snop  }
0x2a: {  	v10 =	vadd.f32 $1.000000020e-16, v10;
	_ =	sdelay $0x1  }
0x2b: {  	s23 =	sadd.s32 $0x280, s23;
	[tilespmem:v9+s25+$0x0 ss:$0x1] =	vst.idx.msk $0xffff, v10;
	s25 =	simm.s32 $0x0  }
0x2c: {  	s23 =	sand.u32 $0x1E00, s25  }
0x2d: {  	s24 =	sand.u32 $0x70, s25;
	s26 =	sshrl.u32 s23, $0x2  }
0x2e: {  	s23 =	simm.s32 $0x40;
	s24 =	sor.u32 s24, s26  }
.LBB2_6:
0x2f: {  	p0 =	sne.s32 s23, $0x1FC0  }
0x30: {  	[tilespmem:s24+$0x180] =	vst v1;
	s25 =	sadd.s32 $0x10, s25;
	s24 =	smov.u32 s23;
	s23 =	sadd.s32 $0x40, s23  }
.Ltmp2:
0x31: {  	(pc) =	sbr.rel @p0 .LBB2_6-.Ltmp2, $4  }
0x32: {  	_ = 	snop  }
0x33: {  	s24 =	sand.u32 $0x1E00, s24  }
0x34: {  	s26 =	sand.u32 $0x70, s25;
	s24 =	sshrl.u32 s24, $0x2  }
0x35: {  	s24 =	sor.u32 s26, s24  }
0x36: {  	[tilespmem:s24+$0x180] =	vst v1;
	s23 =	sadd.s32 $0x0, s10  }
0x37: {  	[spmem:s23] =	stream.linear.scatter [tilespmem:s16], [sflag:$0x2], $0x800, $0x38;
	[tilespmem:$0x1AC00] =	vst v63  }
0x38: {  	s23 =	simm.s32 $0x2000;
	_ =	swait.ge [sflag:s14], $0x800  }
.LBB2_8:
0x39: {  	s24 =	sshra.s32 s23, $0x2;
	[sflag:s14] =	ssyncset.done $0x0;
	p0 =	sne.s32 s23, $0x4E000  }
.Ltmp3:
0x3a: {  	s24 =	sadd.s32 s24, s10;
	[sflag:s14] =	ssyncadd.s32 $0xFFFFF800;
	(pc) =	sbr.rel @p0 .LBB2_8-.Ltmp3, $3  }
0x3b: {  	[spmem:s24] =	stream.linear.scatter [tilespmem:s16], [sflag:$0x2], $0x800, $0x38;
	[tilespmem:$0x1AC00] =	vst v63  }
0x3c: {  	s23 =	sadd.s32 $0x2000, s23;
	_ =	sdelay $0x1  }
0x3d: {  	_ =	swait.ge [sflag:s14], $0x800  }
0x3e: {  	[sflag:s14] =	ssyncset.done $0x0  }
0x3f: {  	[sflag:s14] =	ssyncadd.s32 $0xFFFFF800  }
0x40: {  	s23 =	simm.s32 $0x0;
	s24 =	simm.s32 $0x0;
	[bflag:$0x0] =	sbarrier.arrive $0xFFFF  }
.LBB2_10:
0x41: {  	s25 =	sshll.u32 s24, $0xC  }
0x42: {  	s25 =	sor.u32 s11, s25  }
0x43: {  	s25 =	sshrl.u32 s25, $0x3  }
0x44: {  	s26 =	sadd.s32 s6, s25  }
0x45: {  	[tilespmem:s23], [sflag:$0x2] =	stream.linear.gather [hbm4b:s26+s23], $0x80, $0x38;
	[tilespmem:$0x1AC00] =	vst v63  }
0x46: {  	_ =	swait.ge [sflag:s14], $0x80  }
0x47: {  	[sflag:s14] =	ssyncset.done $0x0  }
0x48: {  	s30 =	sadd.s32 s5, s25;
	[sflag:s14] =	ssyncadd.s32 $0xFFFFFF80  }
0x49: {  	[tilespmem:s17], [sflag:$0x2] =	stream.linear.gather [hbm4b:s30+s23], $0x80, $0x38;
	[tilespmem:$0x1AC00] =	vst v63  }
0x4a: {  	_ =	swait.ge [sflag:s14], $0x80  }
0x4b: {  	[sflag:s14] =	ssyncset.done $0x0  }
0x4c: {  	s25 =	sadd.s32 s7, s25;
	[sflag:s14] =	ssyncadd.s32 $0xFFFFFF80  }
0x4d: {  	[tilespmem:s18], [sflag:$0x2] =	stream.linear.gather [hbm4b:s25+s23], $0x80, $0x38;
	[tilespmem:$0x1AC00] =	vst v63  }
0x4e: {  	_ =	swait.ge [sflag:s14], $0x80  }
0x4f: {  	[sflag:s14] =	ssyncset.done $0x0  }
0x50: {  	[sflag:s14] =	ssyncadd.s32 $0xFFFFFF80  }
0x51: {  	[tilespmem:s16], [sflag:$0x1] =	stream.indirect.gather [hbm4b:s1+s17], $0x80, s17, s17, $0xb8;
	[tilespmem:$0x1AC00] =	vst v63  }
0x52: {  	_ =	swait.ge [sflag:s19], $0x4000  }
0x53: {  	[sflag:s19] =	ssyncset.done $0x0  }
0x54: {  	[sflag:s19] =	ssyncadd.s32 $0xFFFFC000  }
0x55: {  	v9 =	vld [tilespmem:$0x0];
	_ =	sdelay $0x7  }
0x56: {  	v9 =	vld.idx.msk [tilespmem:v9+s20+$0x0], $0xffff;
	_ =	sdelay $0x4  }
0x57: {  	(erf) = vrcp.f32 v9  }
0x58: {  	v9 =	vmov s23  }
0x59: {  	v9 =	vand.u32 $0x7F, v9  }
0x5a: {  	v9 =	vbroadcast v9, $0x0;
	_ =	sdelay $0x1  }
0x5b: {  	v10 =	vld [tilespmem:$0x100];
	v9 =	vor.u32 v0, v9;
	_ =	sdelay $0x3  }
0x5c: {  	s31 =	simm.s32 $0x1;
	v11 =	vpop (erf)  }
0x5d: {  	v12 =	vmov s31;
	s25 =	simm.s32 $0x2;
	v10 =	vmul.f32 v11, v10;
	v11 =	vld.idx.msk [tilespmem:v9+s16+$0x0], $0xffff  }
.LBB2_11:
0x5e: {  	p0 =	sne.s32 s25, $0x7F;
	v12 =	vand.u32 $0x7F, v12  }
0x5f: {  	v12 =	vbroadcast v12, $0x0;
	_ =	sdelay $0x1  }
0x60: {  	v13 =	vor.u32 v0, v12  }
.Ltmp4:
0x61: {  	(pc) =	sbr.rel @p0 .LBB2_11-.Ltmp4, $3  }
0x62: {  	v11 =	vmul.f32 v11, v10;
	_ =	sdelay $0x1  }
0x63: {  	[tilespmem:v9+s16+$0x0] =	vst.idx.msk $0xffff, v11;
	v9 =	vmov v13  }
0x64: {  	v12 =	vmov s25;
	s25 =	sadd.s32 $0x1, s25;
	v11 =	vld.idx.msk [tilespmem:v13+s16+$0x0], $0xffff  }
0x65: {  	v12 =	vand.u32 $0x7F, v12  }
0x66: {  	v12 =	vbroadcast v12, $0x0;
	_ =	sdelay $0x1  }
0x67: {  	v12 =	vor.u32 v0, v12;
	_ =	sdelay $0x1  }
0x68: {  	v11 =	vmul.f32 v11, v10;
	_ =	sdelay $0x1  }
0x69: {  	[tilespmem:v9+s16+$0x0] =	vst.idx.msk $0xffff, v11  }
0x6a: {  	v9 =	vld.idx.msk [tilespmem:v12+s16+$0x0], $0xffff;
	_ =	sdelay $0x4  }
0x6b: {  	v9 =	vmul.f32 v9, v10;
	_ =	sdelay $0x1  }
0x6c: {  	[tilespmem:v12+s16+$0x0] =	vst.idx.msk $0xffff, v9  }
0x6d: {  	v9 =	vld [tilespmem:$0x10];
	_ =	sdelay $0x7  }
0x6e: {  	v9 =	vld.idx.msk [tilespmem:v9+s20+$0x0], $0xffff;
	_ =	sdelay $0x4  }
0x6f: {  	s25 =	simm.s32 $0x0;
	(erf) = vrcp.f32 v9  }
0x70: {  	v9 =	vmov s25  }
0x71: {  	v9 =	vand.u32 $0x7F, v9  }
0x72: {  	v9 =	vbroadcast v9, $0x0;
	_ =	sdelay $0x1  }
0x73: {  	v10 =	vld [tilespmem:$0x110];
	v9 =	vor.u32 v2, v9;
	_ =	sdelay $0x3  }
0x74: {  	s31 =	simm.s32 $0x1;
	v11 =	vpop (erf)  }
0x75: {  	v12 =	vmov s31;
	s25 =	simm.s32 $0x2;
	v10 =	vmul.f32 v11, v10;
	v11 =	vld.idx.msk [tilespmem:v9+s16+$0x0], $0xffff  }
.LBB2_13:
0x76: {  	p0 =	sne.s32 s25, $0x7F;
	v12 =	vand.u32 $0x7F, v12  }
0x77: {  	v12 =	vbroadcast v12, $0x0;
	_ =	sdelay $0x1  }
0x78: {  	v13 =	vor.u32 v2, v12  }
.Ltmp5:
0x79: {  	(pc) =	sbr.rel @p0 .LBB2_13-.Ltmp5, $3  }
0x7a: {  	v11 =	vmul.f32 v11, v10;
	_ =	sdelay $0x1  }
0x7b: {  	[tilespmem:v9+s16+$0x0] =	vst.idx.msk $0xffff, v11;
	v9 =	vmov v13  }
0x7c: {  	v12 =	vmov s25;
	s25 =	sadd.s32 $0x1, s25;
	v11 =	vld.idx.msk [tilespmem:v13+s16+$0x0], $0xffff  }
0x7d: {  	v12 =	vand.u32 $0x7F, v12  }
0x7e: {  	v12 =	vbroadcast v12, $0x0;
	_ =	sdelay $0x1  }
0x7f: {  	v12 =	vor.u32 v2, v12;
	_ =	sdelay $0x1  }
0x80: {  	v11 =	vmul.f32 v11, v10;
	_ =	sdelay $0x1  }
0x81: {  	[tilespmem:v9+s16+$0x0] =	vst.idx.msk $0xffff, v11  }
0x82: {  	v9 =	vld.idx.msk [tilespmem:v12+s16+$0x0], $0xffff;
	_ =	sdelay $0x4  }
0x83: {  	v9 =	vmul.f32 v9, v10;
	_ =	sdelay $0x1  }
0x84: {  	[tilespmem:v12+s16+$0x0] =	vst.idx.msk $0xffff, v9  }
0x85: {  	v9 =	vld [tilespmem:$0x20];
	_ =	sdelay $0x7  }
0x86: {  	v9 =	vld.idx.msk [tilespmem:v9+s20+$0x0], $0xffff;
	_ =	sdelay $0x4  }
0x87: {  	s25 =	simm.s32 $0x0;
	(erf) = vrcp.f32 v9  }
0x88: {  	v9 =	vmov s25  }
0x89: {  	v9 =	vand.u32 $0x7F, v9  }
0x8a: {  	v9 =	vbroadcast v9, $0x0;
	_ =	sdelay $0x1  }
0x8b: {  	v10 =	vld [tilespmem:$0x120];
	v9 =	vor.u32 v3, v9;
	_ =	sdelay $0x3  }
0x8c: {  	s31 =	simm.s32 $0x1;
	v11 =	vpop (erf)  }
0x8d: {  	v12 =	vmov s31;
	s25 =	simm.s32 $0x2;
	v10 =	vmul.f32 v11, v10;
	v11 =	vld.idx.msk [tilespmem:v9+s16+$0x0], $0xffff  }
.LBB2_15:
0x8e: {  	p0 =	sne.s32 s25, $0x7F;
	v12 =	vand.u32 $0x7F, v12  }
0x8f: {  	v12 =	vbroadcast v12, $0x0;
	_ =	sdelay $0x1  }
0x90: {  	v13 =	vor.u32 v3, v12  }
.Ltmp6:
0x91: {  	(pc) =	sbr.rel @p0 .LBB2_15-.Ltmp6, $3  }
0x92: {  	v11 =	vmul.f32 v11, v10;
	_ =	sdelay $0x1  }
0x93: {  	[tilespmem:v9+s16+$0x0] =	vst.idx.msk $0xffff, v11;
	v9 =	vmov v13  }
0x94: {  	v12 =	vmov s25;
	s25 =	sadd.s32 $0x1, s25;
	v11 =	vld.idx.msk [tilespmem:v13+s16+$0x0], $0xffff  }
0x95: {  	v12 =	vand.u32 $0x7F, v12  }
0x96: {  	v12 =	vbroadcast v12, $0x0;
	_ =	sdelay $0x1  }
0x97: {  	v12 =	vor.u32 v3, v12;
	_ =	sdelay $0x1  }
0x98: {  	v11 =	vmul.f32 v11, v10;
	_ =	sdelay $0x1  }
0x99: {  	[tilespmem:v9+s16+$0x0] =	vst.idx.msk $0xffff, v11  }
0x9a: {  	v9 =	vld.idx.msk [tilespmem:v12+s16+$0x0], $0xffff;
	_ =	sdelay $0x4  }
0x9b: {  	v9 =	vmul.f32 v9, v10;
	_ =	sdelay $0x1  }
0x9c: {  	[tilespmem:v12+s16+$0x0] =	vst.idx.msk $0xffff, v9  }
0x9d: {  	v9 =	vld [tilespmem:$0x30];
	_ =	sdelay $0x7  }
0x9e: {  	v9 =	vld.idx.msk [tilespmem:v9+s20+$0x0], $0xffff;
	_ =	sdelay $0x4  }
0x9f: {  	s25 =	simm.s32 $0x0;
	(erf) = vrcp.f32 v9  }
0xa0: {  	v9 =	vmov s25  }
0xa1: {  	v9 =	vand.u32 $0x7F, v9  }
0xa2: {  	v9 =	vbroadcast v9, $0x0;
	_ =	sdelay $0x1  }
0xa3: {  	v10 =	vld [tilespmem:$0x130];
	v9 =	vor.u32 v4, v9;
	_ =	sdelay $0x3  }
0xa4: {  	s31 =	simm.s32 $0x1;
	v11 =	vpop (erf)  }
0xa5: {  	v12 =	vmov s31;
	s25 =	simm.s32 $0x2;
	v10 =	vmul.f32 v11, v10;
	v11 =	vld.idx.msk [tilespmem:v9+s16+$0x0], $0xffff  }
.LBB2_17:
0xa6: {  	p0 =	sne.s32 s25, $0x7F;
	v12 =	vand.u32 $0x7F, v12  }
0xa7: {  	v12 =	vbroadcast v12, $0x0;
	_ =	sdelay $0x1  }
0xa8: {  	v13 =	vor.u32 v4, v12  }
.Ltmp7:
0xa9: {  	(pc) =	sbr.rel @p0 .LBB2_17-.Ltmp7, $3  }
0xaa: {  	v11 =	vmul.f32 v11, v10;
	_ =	sdelay $0x1  }
0xab: {  	[tilespmem:v9+s16+$0x0] =	vst.idx.msk $0xffff, v11;
	v9 =	vmov v13  }
0xac: {  	v12 =	vmov s25;
	s25 =	sadd.s32 $0x1, s25;
	v11 =	vld.idx.msk [tilespmem:v13+s16+$0x0], $0xffff  }
0xad: {  	v12 =	vand.u32 $0x7F, v12  }
0xae: {  	v12 =	vbroadcast v12, $0x0;
	_ =	sdelay $0x1  }
0xaf: {  	v12 =	vor.u32 v4, v12;
	_ =	sdelay $0x1  }
0xb0: {  	v11 =	vmul.f32 v11, v10;
	_ =	sdelay $0x1  }
0xb1: {  	[tilespmem:v9+s16+$0x0] =	vst.idx.msk $0xffff, v11  }
0xb2: {  	v9 =	vld.idx.msk [tilespmem:v12+s16+$0x0], $0xffff;
	_ =	sdelay $0x4  }
0xb3: {  	v9 =	vmul.f32 v9, v10;
	_ =	sdelay $0x1  }
0xb4: {  	[tilespmem:v12+s16+$0x0] =	vst.idx.msk $0xffff, v9  }
0xb5: {  	v9 =	vld [tilespmem:$0x40];
	_ =	sdelay $0x7  }
0xb6: {  	v9 =	vld.idx.msk [tilespmem:v9+s20+$0x0], $0xffff;
	_ =	sdelay $0x4  }
0xb7: {  	s25 =	simm.s32 $0x0;
	(erf) = vrcp.f32 v9  }
0xb8: {  	v9 =	vmov s25  }
0xb9: {  	v9 =	vand.u32 $0x7F, v9  }
0xba: {  	v9 =	vbroadcast v9, $0x0;
	_ =	sdelay $0x1  }
0xbb: {  	v10 =	vld [tilespmem:$0x140];
	v9 =	vor.u32 v5, v9;
	_ =	sdelay $0x3  }
0xbc: {  	s31 =	simm.s32 $0x1;
	v11 =	vpop (erf)  }
0xbd: {  	v12 =	vmov s31;
	s25 =	simm.s32 $0x2;
	v10 =	vmul.f32 v11, v10;
	v11 =	vld.idx.msk [tilespmem:v9+s16+$0x0], $0xffff  }
.LBB2_19:
0xbe: {  	p0 =	sne.s32 s25, $0x7F;
	v12 =	vand.u32 $0x7F, v12  }
0xbf: {  	v12 =	vbroadcast v12, $0x0;
	_ =	sdelay $0x1  }
0xc0: {  	v13 =	vor.u32 v5, v12  }
.Ltmp8:
0xc1: {  	(pc) =	sbr.rel @p0 .LBB2_19-.Ltmp8, $3  }
0xc2: {  	v11 =	vmul.f32 v11, v10;
	_ =	sdelay $0x1  }
0xc3: {  	[tilespmem:v9+s16+$0x0] =	vst.idx.msk $0xffff, v11;
	v9 =	vmov v13  }
0xc4: {  	v12 =	vmov s25;
	s25 =	sadd.s32 $0x1, s25;
	v11 =	vld.idx.msk [tilespmem:v13+s16+$0x0], $0xffff  }
0xc5: {  	v12 =	vand.u32 $0x7F, v12  }
0xc6: {  	v12 =	vbroadcast v12, $0x0;
	_ =	sdelay $0x1  }
0xc7: {  	v12 =	vor.u32 v5, v12;
	_ =	sdelay $0x1  }
0xc8: {  	v11 =	vmul.f32 v11, v10;
	_ =	sdelay $0x1  }
0xc9: {  	[tilespmem:v9+s16+$0x0] =	vst.idx.msk $0xffff, v11  }
0xca: {  	v9 =	vld.idx.msk [tilespmem:v12+s16+$0x0], $0xffff;
	_ =	sdelay $0x4  }
0xcb: {  	v9 =	vmul.f32 v9, v10;
	_ =	sdelay $0x1  }
0xcc: {  	[tilespmem:v12+s16+$0x0] =	vst.idx.msk $0xffff, v9  }
0xcd: {  	v9 =	vld [tilespmem:$0x50];
	_ =	sdelay $0x7  }
0xce: {  	v9 =	vld.idx.msk [tilespmem:v9+s20+$0x0], $0xffff;
	_ =	sdelay $0x4  }
0xcf: {  	s25 =	simm.s32 $0x0;
	(erf) = vrcp.f32 v9  }
0xd0: {  	v9 =	vmov s25  }
0xd1: {  	v9 =	vand.u32 $0x7F, v9  }
0xd2: {  	v9 =	vbroadcast v9, $0x0;
	_ =	sdelay $0x1  }
0xd3: {  	v10 =	vld [tilespmem:$0x150];
	v9 =	vor.u32 v6, v9;
	_ =	sdelay $0x3  }
0xd4: {  	s31 =	simm.s32 $0x1;
	v11 =	vpop (erf)  }
0xd5: {  	v12 =	vmov s31;
	s25 =	simm.s32 $0x2;
	v10 =	vmul.f32 v11, v10;
	v11 =	vld.idx.msk [tilespmem:v9+s16+$0x0], $0xffff  }
.LBB2_21:
0xd6: {  	p0 =	sne.s32 s25, $0x7F;
	v12 =	vand.u32 $0x7F, v12  }
0xd7: {  	v12 =	vbroadcast v12, $0x0;
	_ =	sdelay $0x1  }
0xd8: {  	v13 =	vor.u32 v6, v12  }
.Ltmp9:
0xd9: {  	(pc) =	sbr.rel @p0 .LBB2_21-.Ltmp9, $3  }
0xda: {  	v11 =	vmul.f32 v11, v10;
	_ =	sdelay $0x1  }
0xdb: {  	[tilespmem:v9+s16+$0x0] =	vst.idx.msk $0xffff, v11;
	v9 =	vmov v13  }
0xdc: {  	v12 =	vmov s25;
	s25 =	sadd.s32 $0x1, s25;
	v11 =	vld.idx.msk [tilespmem:v13+s16+$0x0], $0xffff  }
0xdd: {  	v12 =	vand.u32 $0x7F, v12  }
0xde: {  	v12 =	vbroadcast v12, $0x0;
	_ =	sdelay $0x1  }
0xdf: {  	v12 =	vor.u32 v6, v12;
	_ =	sdelay $0x1  }
0xe0: {  	v11 =	vmul.f32 v11, v10;
	_ =	sdelay $0x1  }
0xe1: {  	[tilespmem:v9+s16+$0x0] =	vst.idx.msk $0xffff, v11  }
0xe2: {  	v9 =	vld.idx.msk [tilespmem:v12+s16+$0x0], $0xffff;
	_ =	sdelay $0x4  }
0xe3: {  	v9 =	vmul.f32 v9, v10;
	_ =	sdelay $0x1  }
0xe4: {  	[tilespmem:v12+s16+$0x0] =	vst.idx.msk $0xffff, v9  }
0xe5: {  	v9 =	vld [tilespmem:$0x60];
	_ =	sdelay $0x7  }
0xe6: {  	v9 =	vld.idx.msk [tilespmem:v9+s20+$0x0], $0xffff;
	_ =	sdelay $0x4  }
0xe7: {  	s25 =	simm.s32 $0x0;
	(erf) = vrcp.f32 v9  }
0xe8: {  	v9 =	vmov s25  }
0xe9: {  	v9 =	vand.u32 $0x7F, v9  }
0xea: {  	v9 =	vbroadcast v9, $0x0;
	_ =	sdelay $0x1  }
0xeb: {  	v10 =	vld [tilespmem:$0x160];
	v9 =	vor.u32 v7, v9;
	_ =	sdelay $0x3  }
0xec: {  	s31 =	simm.s32 $0x1;
	v11 =	vpop (erf)  }
0xed: {  	v12 =	vmov s31;
	s25 =	simm.s32 $0x2;
	v10 =	vmul.f32 v11, v10;
	v11 =	vld.idx.msk [tilespmem:v9+s16+$0x0], $0xffff  }
.LBB2_23:
0xee: {  	p0 =	sne.s32 s25, $0x7F;
	v12 =	vand.u32 $0x7F, v12  }
0xef: {  	v12 =	vbroadcast v12, $0x0;
	_ =	sdelay $0x1  }
0xf0: {  	v13 =	vor.u32 v7, v12  }
.Ltmp10:
0xf1: {  	(pc) =	sbr.rel @p0 .LBB2_23-.Ltmp10, $3  }
0xf2: {  	v11 =	vmul.f32 v11, v10;
	_ =	sdelay $0x1  }
0xf3: {  	[tilespmem:v9+s16+$0x0] =	vst.idx.msk $0xffff, v11;
	v9 =	vmov v13  }
0xf4: {  	v12 =	vmov s25;
	s25 =	sadd.s32 $0x1, s25;
	v11 =	vld.idx.msk [tilespmem:v13+s16+$0x0], $0xffff  }
0xf5: {  	v12 =	vand.u32 $0x7F, v12  }
0xf6: {  	v12 =	vbroadcast v12, $0x0;
	_ =	sdelay $0x1  }
0xf7: {  	v12 =	vor.u32 v7, v12;
	_ =	sdelay $0x1  }
0xf8: {  	v11 =	vmul.f32 v11, v10;
	_ =	sdelay $0x1  }
0xf9: {  	[tilespmem:v9+s16+$0x0] =	vst.idx.msk $0xffff, v11  }
0xfa: {  	v9 =	vld.idx.msk [tilespmem:v12+s16+$0x0], $0xffff;
	_ =	sdelay $0x4  }
0xfb: {  	v9 =	vmul.f32 v9, v10;
	_ =	sdelay $0x1  }
0xfc: {  	[tilespmem:v12+s16+$0x0] =	vst.idx.msk $0xffff, v9  }
0xfd: {  	v9 =	vld [tilespmem:$0x70];
	_ =	sdelay $0x7  }
0xfe: {  	v9 =	vld.idx.msk [tilespmem:v9+s20+$0x0], $0xffff;
	_ =	sdelay $0x4  }
0xff: {  	s25 =	simm.s32 $0x0;
	(erf) = vrcp.f32 v9  }
0x100: {  	v9 =	vmov s25  }
0x101: {  	v9 =	vand.u32 $0x7F, v9  }
0x102: {  	v9 =	vbroadcast v9, $0x0;
	_ =	sdelay $0x1  }
0x103: {  	v10 =	vld [tilespmem:$0x170];
	v9 =	vor.u32 v8, v9;
	_ =	sdelay $0x3  }
0x104: {  	s31 =	simm.s32 $0x1;
	v11 =	vpop (erf)  }
0x105: {  	v12 =	vmov s31;
	s25 =	simm.s32 $0x2;
	v10 =	vmul.f32 v11, v10;
	v11 =	vld.idx.msk [tilespmem:v9+s16+$0x0], $0xffff  }
.LBB2_25:
0x106: {  	p0 =	sne.s32 s25, $0x7F;
	v12 =	vand.u32 $0x7F, v12  }
0x107: {  	v12 =	vbroadcast v12, $0x0;
	_ =	sdelay $0x1  }
0x108: {  	v13 =	vor.u32 v8, v12  }
.Ltmp11:
0x109: {  	(pc) =	sbr.rel @p0 .LBB2_25-.Ltmp11, $3  }
0x10a: {  	v11 =	vmul.f32 v11, v10;
	_ =	sdelay $0x1  }
0x10b: {  	[tilespmem:v9+s16+$0x0] =	vst.idx.msk $0xffff, v11;
	v9 =	vmov v13  }
0x10c: {  	v12 =	vmov s25;
	s25 =	sadd.s32 $0x1, s25;
	v11 =	vld.idx.msk [tilespmem:v13+s16+$0x0], $0xffff  }
0x10d: {  	v12 =	vand.u32 $0x7F, v12  }
0x10e: {  	v12 =	vbroadcast v12, $0x0;
	_ =	sdelay $0x1  }
0x10f: {  	v12 =	vor.u32 v8, v12;
	_ =	sdelay $0x1  }
0x110: {  	v11 =	vmul.f32 v11, v10;
	_ =	sdelay $0x1  }
0x111: {  	[tilespmem:v9+s16+$0x0] =	vst.idx.msk $0xffff, v11  }
0x112: {  	v9 =	vld.idx.msk [tilespmem:v12+s16+$0x0], $0xffff;
	_ =	sdelay $0x4  }
0x113: {  	s24 =	sadd.s32 $0x1, s24;
	v9 =	vmul.f32 v9, v10  }
0x114: {  	p0 =	sne.s32 s24, s9  }
.Ltmp12:
0x115: {  	[tilespmem:v12+s16+$0x0] =	vst.idx.msk $0xffff, v9;
	(pc) =	sbr.rel @p0 .LBB2_10-.Ltmp12, $4  }
0x116: {  	[spmem:s2] =	stream.indirect.scatter.add.f32 [tilespmem:s16], [sflag:$0x2], $0x80, s4, s17, $0xb8;
	[tilespmem:$0x1AC00] =	vst v63  }
0x117: {  	_ =	swait.ge [sflag:s14], $0x4000  }
0x118: {  	[sflag:s14] =	ssyncset.done $0x0  }
0x119: {  	[sflag:s14] =	ssyncadd.s32 $0xFFFFC000  }
0x11a: {  	s22 =	sadd.s32 $0x1, s22  }
0x11b: {  	s23 =	sshll.u32 s3, $0x6;
	p0 =	sne.s32 s22, s13  }
.Ltmp13:
0x11c: {  	[bflag:$0x0] =	sbarrier.arrive $0xFFFF;
	s23 =	sor.u32 $0x1C02, s23;
	(pc) =	sbr.rel @p0 .LBB2_1-.Ltmp13, $4  }
0x11d: {  	[hbm:s12], [sflag:s23] =	dma.local [spmem:s21], $0x2710  }
0x11e: {  	_ =	swait.ge [sflag:s14], $0x2710  }
0x11f: {  	[sflag:s14] =	ssyncset.done $0x0  }
0x120: {  	[sflag:s14] =	ssyncadd.s32 $0xFFFFD8F0  }
0x121: {  	_ =	sfence.sel $0x180000  }
0x122: {  	[bflag:$0x0] =	sbarrier.arrive $0xFFFF  }
0x123: {  	p0 =	sne.s32 s3, $0x0;
	_ =	strace $0x9000004A  }
0x124: {  	s0 =	sadd.s32 @!p0 $0x100000, s0;
	[bflag:$0x2] =	sbarrier.arrive $0xFFFF  }
0x125: {  	[sflag:s0] =	ssyncadd.tile.s32 @!p0 $0x1;
	_ =	shalt  }
.Lfunc_end2:
_tile_overlayer_lowered:
.L_overlay_start_2:
0x126: {  	(tag) =	ssettag $0x2  }
0x127: {  	s0 =	rddreg [dreg:$0x0];
	s2 =	stileid.u32  }
0x128: {  	s1 =	rddreg [dreg:$0x1];
	p0 =	sne.s32 s2, $0x0  }
0x129: {  	s3 =	rddreg [dreg:$0x2];
	[bflag:$0x3] =	sbarrier.arrive $0xFFFF;
	s2 =	simm.s32 @!p0 $0x1C02  }
0x12a: {  	[timem:s3], [sflag:s2] =	dma.local @!p0 [hbm:s0], s1  }
0x12b: {  	s0 =	simm.s32 @!p0 $0x2  }
0x12c: {  	_ =	swait.ge @!p0 [sflag:s0], s1  }
0x12d: {  	s1 =	ssub.s32 @!p0 $0x0, s1;
	[sflag:s0] =	ssyncset.done @!p0 $0x0  }
0x12e: {  	[sflag:s0] =	ssyncadd.s32 @!p0 s1  }
0x12f: {  	[bflag:$0x3] =	sbarrier.arrive $0xFFFF  }
0x130: {  	_ =	shalt  }

</sc_bundles>
